<compile_context>
chip_gen: v7x
topology: tpu7x:2x2x1
jax: 0.10.2.dev20260603
libtpu: 0.0.44.dev20260713+nightly
codegen_flags: <defaults>
</compile_context>

<pallas_src>
import functools

import jax
import jax.numpy as jnp
from jax import lax
from jax.experimental import pallas as pl
from jax.experimental.pallas import tpu as pltpu, tpu_sc as plsc

D_MODEL = 768
D_VOCAB = 100000

_B = 32768
_CHUNK = 16
_NBUF = 8
_LOOK = 4


def _make_gather():
    info = plsc.get_sparse_core_info()
    nc, ns = info.num_cores, info.num_subcores
    nw = nc * ns
    b_per_w = _B // nw
    n_steps = b_per_w // _CHUNK
    mesh = plsc.VectorSubcoreMesh(core_axis_name="c", subcore_axis_name="s")

    @functools.partial(
        pl.kernel,
        mesh=mesh,
        out_type=jax.ShapeDtypeStruct((_B, D_MODEL), jnp.float32),
        scratch_types=[
            pltpu.VMEM((b_per_w,), jnp.int32),
            pltpu.VMEM((_NBUF, _CHUNK, D_MODEL), jnp.float32),
        ] + [pltpu.SemaphoreType.DMA] * (2 * _NBUF),
    )
    def gather_k(table_hbm, idx_hbm, out_hbm, idx_v, rows_v, *sems):
        gsems = sems[:_NBUF]
        wsems = sems[_NBUF:]
        wid = lax.axis_index("s") * nc + lax.axis_index("c")
        base = wid * b_per_w

        pltpu.sync_copy(idx_hbm.at[pl.ds(base, b_per_w)], idx_v)

        def start_gather(i, b):
            pltpu.async_copy(
                table_hbm.at[idx_v.at[pl.ds(i * _CHUNK, _CHUNK)]],
                rows_v.at[b], gsems[b])

        def wait_gather(i, b):
            pltpu.make_async_copy(
                table_hbm.at[idx_v.at[pl.ds(i * _CHUNK, _CHUNK)]],
                rows_v.at[b], gsems[b]).wait()

        def start_write(i, b):
            pltpu.async_copy(
                rows_v.at[b],
                out_hbm.at[pl.ds(base + i * _CHUNK, _CHUNK)], wsems[b])

        def wait_write(i, b):
            pltpu.make_async_copy(
                rows_v.at[b],
                out_hbm.at[pl.ds(base + i * _CHUNK, _CHUNK)], wsems[b]).wait()

        for u in range(_LOOK):
            start_gather(u, u)

        def ring_body(p, carry):
            for u in range(_NBUF):
                j = p * _NBUF + u
                g = j + _LOOK
                bg = (u + _LOOK) % _NBUF

                @pl.when(g < n_steps)
                def _():
                    @pl.when(g >= _NBUF)
                    def _():
                        wait_write(g - _NBUF, bg)
                    start_gather(g, bg)

                wait_gather(j, u)
                start_write(j, u)
            return carry

        lax.fori_loop(0, n_steps // _NBUF, ring_body, 0)
        for u in range(_NBUF):
            wait_write(n_steps - _NBUF + u, (n_steps - _NBUF + u) % _NBUF)

    return gather_k


def kernel(x, W_E):
    xf = x.reshape(_B).astype(jnp.int32)
    out = _make_gather()(W_E.T, xf)
    return out.reshape(x.shape[0], x.shape[1], D_MODEL)

# --- scband reference (transcript-rebuilt; emitter-appended) ---
"""Pipeline reference for scband-embed-21380347200189 (READ-ONLY COPY).

The authoritative reference and input builder live on the scoring server;
editing this copy changes nothing except your own understanding.
"""

import jax, jax.numpy as jnp
import numpy as np

D_VOCAB = 100000
D_MODEL = 768
BATCH = 4
SEQ = 8192


def setup_inputs(seed: int = 0) -> dict:
    key = jax.random.key(seed)
    k1, k2 = jax.random.split(key)
    x = jax.random.randint(k1, (BATCH, SEQ), 0, D_VOCAB, dtype=jnp.int64) if jax.config.jax_enable_x64 else jax.random.randint(k1, (BATCH, SEQ), 0, D_VOCAB, dtype=jnp.int32)
    W_E = jax.random.normal(k2, (D_MODEL, D_VOCAB), dtype=jnp.float32) / np.sqrt(D_MODEL)
    return {"x": x, "W_E": W_E}


def reference(x, W_E):
    # torch: einsum('dbp -> bpd', W_E[:, x])
    # W_E[:, x] gathers columns -> shape [d_model, batch, pos]
    gathered = jnp.take(W_E, x, axis=1)  # [d, b, p]
    return jnp.transpose(gathered, (1, 2, 0))  # [b, p, d]

if __name__ == "__main__":
    import jax
    _d = setup_inputs()
    print(jax.jit(kernel)(*tuple(_d.values())))

</pallas_src>

<mosaic_0001>
#map = affine_map<(d0, d1) -> (0, 0)>
#map1 = affine_map<(d0, d1) -> (0)>
module attributes {stable_mosaic.version = 14 : i64} {
  func.func @gather_k(%arg0: i32, %arg1: i32, %arg2: memref<100000x768xf32, #tpu.memory_space<hbm>>, %arg3: memref<32768xi32, #tpu.memory_space<hbm>>, %arg4: memref<32768x768xf32, #tpu.memory_space<hbm>>, %arg5: memref<1024xi32, #tpu.memory_space<vmem>>, %arg6: memref<8x16x768xf32, #tpu.memory_space<vmem>>, %arg7: memref<!tpu.dma_semaphore, #tpu.memory_space<semaphore_mem>>, %arg8: memref<!tpu.dma_semaphore, #tpu.memory_space<semaphore_mem>>, %arg9: memref<!tpu.dma_semaphore, #tpu.memory_space<semaphore_mem>>, %arg10: memref<!tpu.dma_semaphore, #tpu.memory_space<semaphore_mem>>, %arg11: memref<!tpu.dma_semaphore, #tpu.memory_space<semaphore_mem>>, %arg12: memref<!tpu.dma_semaphore, #tpu.memory_space<semaphore_mem>>, %arg13: memref<!tpu.dma_semaphore, #tpu.memory_space<semaphore_mem>>, %arg14: memref<!tpu.dma_semaphore, #tpu.memory_space<semaphore_mem>>, %arg15: memref<!tpu.dma_semaphore, #tpu.memory_space<semaphore_mem>>, %arg16: memref<!tpu.dma_semaphore, #tpu.memory_space<semaphore_mem>>, %arg17: memref<!tpu.dma_semaphore, #tpu.memory_space<semaphore_mem>>, %arg18: memref<!tpu.dma_semaphore, #tpu.memory_space<semaphore_mem>>, %arg19: memref<!tpu.dma_semaphore, #tpu.memory_space<semaphore_mem>>, %arg20: memref<!tpu.dma_semaphore, #tpu.memory_space<semaphore_mem>>, %arg21: memref<!tpu.dma_semaphore, #tpu.memory_space<semaphore_mem>>, %arg22: memref<!tpu.dma_semaphore, #tpu.memory_space<semaphore_mem>>) attributes {dimension_semantics = [#tpu.dimension_semantics<core_parallel>, #tpu.dimension_semantics<subcore_parallel>], iteration_bounds = array<i64: 2, 16>, scalar_prefetch = 0 : i64, scratch_operands = 18 : i64, tpu.core_type = #tpu.core_type<sc_vector_subcore>, window_params = [{transform_indices = #map}, {transform_indices = #map1}, {transform_indices = #map}]} {
    %mul3A = arith.constant 2 : i32
    %mul3A_0 = arith.muli %arg1, %mul3A : i32
    %add3A = arith.addi %mul3A_0, %arg0 : i32
    %mul3A_1 = arith.constant 1024 : i32
    %mul3A_2 = arith.muli %add3A, %mul3A_1 : i32
    "tpu.region"() ({
      %run_scoped3A = tpu.sem_alloc : memref<!tpu.dma_semaphore, #tpu.memory_space<semaphore_mem>>
      %dma_start3A_166 = tpu.memref_slice %arg3[%mul3A_2] : memref<32768xi32, #tpu.memory_space<hbm>> -> memref<1024xi32, #tpu.memory_space<hbm>>
      %dma_start3A_167 = tpu.memref_slice %arg3[%mul3A_2] : memref<32768xi32, #tpu.memory_space<hbm>> -> memref<1024xi32, #tpu.memory_space<hbm>>
      tpu.enqueue_dma source(%dma_start3A_167 : memref<1024xi32, #tpu.memory_space<hbm>>) target(%arg5 : memref<1024xi32, #tpu.memory_space<vmem>>) target_semaphore(%run_scoped3A : memref<!tpu.dma_semaphore, #tpu.memory_space<semaphore_mem>>)
      %dma_wait3A_168 = tpu.memref_slice %arg3[%mul3A_2] : memref<32768xi32, #tpu.memory_space<hbm>> -> memref<1024xi32, #tpu.memory_space<hbm>>
      %dma_wait3A_169 = tpu.memref_slice %arg3[%mul3A_2] : memref<32768xi32, #tpu.memory_space<hbm>> -> memref<1024xi32, #tpu.memory_space<hbm>>
      tpu.wait_dma2 semaphore(%run_scoped3A : memref<!tpu.dma_semaphore, #tpu.memory_space<semaphore_mem>>) src(%dma_wait3A_169 : memref<1024xi32, #tpu.memory_space<hbm>>) dst(%arg5 : memref<1024xi32, #tpu.memory_space<vmem>>)
      tpu.yield
    }) : () -> ()
    %dma_start3A = arith.constant 0 : i32
    %dma_start3A_3 = arith.constant 0 : i32
    %dma_start3A_4 = arith.constant 0 : i32
    %dma_start3A_5 = tpu.memref_slice %arg6[%dma_start3A, %dma_start3A_3, %dma_start3A_4] : memref<8x16x768xf32, #tpu.memory_space<vmem>> -> memref<1x16x768xf32, #tpu.memory_space<vmem>>
    %dma_start3A_6 = tpu.memref_squeeze %dma_start3A_5 : memref<1x16x768xf32, #tpu.memory_space<vmem>> -> memref<16x768xf32, #tpu.memory_space<vmem>>
    %dma_start3A_7 = arith.constant 0 : i32
    %dma_start3A_8 = tpu.memref_slice %arg5[%dma_start3A_7] : memref<1024xi32, #tpu.memory_space<vmem>> -> memref<16xi32, #tpu.memory_space<vmem>>
    %dma_start3A_9 = arith.constant 0 : i32
    %dma_start3A_10 = arith.constant 0 : i32
    %dma_start3A_11 = tpu.memref_slice %arg2[%dma_start3A_9, %dma_start3A_10] : memref<100000x768xf32, #tpu.memory_space<hbm>> -> memref<100000x768xf32, #tpu.memory_space<hbm>>
    tpu.enqueue_indirect_dma source(%dma_start3A_11 : memref<100000x768xf32, #tpu.memory_space<hbm>>) target(%dma_start3A_6 : memref<16x768xf32, #tpu.memory_space<vmem>>) offsets(%dma_start3A_8 : memref<16xi32, #tpu.memory_space<vmem>>) semaphore(%arg7 : memref<!tpu.dma_semaphore, #tpu.memory_space<semaphore_mem>>)
    %dma_start3A_12 = arith.constant 1 : i32
    %dma_start3A_13 = arith.constant 0 : i32
    %dma_start3A_14 = arith.constant 0 : i32
    %dma_start3A_15 = tpu.memref_slice %arg6[%dma_start3A_12, %dma_start3A_13, %dma_start3A_14] : memref<8x16x768xf32, #tpu.memory_space<vmem>> -> memref<1x16x768xf32, #tpu.memory_space<vmem>>
    %dma_start3A_16 = tpu.memref_squeeze %dma_start3A_15 : memref<1x16x768xf32, #tpu.memory_space<vmem>> -> memref<16x768xf32, #tpu.memory_space<vmem>>
    %dma_start3A_17 = arith.constant 16 : i32
    %dma_start3A_18 = tpu.memref_slice %arg5[%dma_start3A_17] : memref<1024xi32, #tpu.memory_space<vmem>> -> memref<16xi32, #tpu.memory_space<vmem>>
    %dma_start3A_19 = arith.constant 0 : i32
    %dma_start3A_20 = arith.constant 0 : i32
    %dma_start3A_21 = tpu.memref_slice %arg2[%dma_start3A_19, %dma_start3A_20] : memref<100000x768xf32, #tpu.memory_space<hbm>> -> memref<100000x768xf32, #tpu.memory_space<hbm>>
    tpu.enqueue_indirect_dma source(%dma_start3A_21 : memref<100000x768xf32, #tpu.memory_space<hbm>>) target(%dma_start3A_16 : memref<16x768xf32, #tpu.memory_space<vmem>>) offsets(%dma_start3A_18 : memref<16xi32, #tpu.memory_space<vmem>>) semaphore(%arg8 : memref<!tpu.dma_semaphore, #tpu.memory_space<semaphore_mem>>)
    %dma_start3A_22 = arith.constant 2 : i32
    %dma_start3A_23 = arith.constant 0 : i32
    %dma_start3A_24 = arith.constant 0 : i32
    %dma_start3A_25 = tpu.memref_slice %arg6[%dma_start3A_22, %dma_start3A_23, %dma_start3A_24] : memref<8x16x768xf32, #tpu.memory_space<vmem>> -> memref<1x16x768xf32, #tpu.memory_space<vmem>>
    %dma_start3A_26 = tpu.memref_squeeze %dma_start3A_25 : memref<1x16x768xf32, #tpu.memory_space<vmem>> -> memref<16x768xf32, #tpu.memory_space<vmem>>
    %dma_start3A_27 = arith.constant 32 : i32
    %dma_start3A_28 = tpu.memref_slice %arg5[%dma_start3A_27] : memref<1024xi32, #tpu.memory_space<vmem>> -> memref<16xi32, #tpu.memory_space<vmem>>
    %dma_start3A_29 = arith.constant 0 : i32
    %dma_start3A_30 = arith.constant 0 : i32
    %dma_start3A_31 = tpu.memref_slice %arg2[%dma_start3A_29, %dma_start3A_30] : memref<100000x768xf32, #tpu.memory_space<hbm>> -> memref<100000x768xf32, #tpu.memory_space<hbm>>
    tpu.enqueue_indirect_dma source(%dma_start3A_31 : memref<100000x768xf32, #tpu.memory_space<hbm>>) target(%dma_start3A_26 : memref<16x768xf32, #tpu.memory_space<vmem>>) offsets(%dma_start3A_28 : memref<16xi32, #tpu.memory_space<vmem>>) semaphore(%arg9 : memref<!tpu.dma_semaphore, #tpu.memory_space<semaphore_mem>>)
    %dma_start3A_32 = arith.constant 3 : i32
    %dma_start3A_33 = arith.constant 0 : i32
    %dma_start3A_34 = arith.constant 0 : i32
    %dma_start3A_35 = tpu.memref_slice %arg6[%dma_start3A_32, %dma_start3A_33, %dma_start3A_34] : memref<8x16x768xf32, #tpu.memory_space<vmem>> -> memref<1x16x768xf32, #tpu.memory_space<vmem>>
    %dma_start3A_36 = tpu.memref_squeeze %dma_start3A_35 : memref<1x16x768xf32, #tpu.memory_space<vmem>> -> memref<16x768xf32, #tpu.memory_space<vmem>>
    %dma_start3A_37 = arith.constant 48 : i32
    %dma_start3A_38 = tpu.memref_slice %arg5[%dma_start3A_37] : memref<1024xi32, #tpu.memory_space<vmem>> -> memref<16xi32, #tpu.memory_space<vmem>>
    %dma_start3A_39 = arith.constant 0 : i32
    %dma_start3A_40 = arith.constant 0 : i32
    %dma_start3A_41 = tpu.memref_slice %arg2[%dma_start3A_39, %dma_start3A_40] : memref<100000x768xf32, #tpu.memory_space<hbm>> -> memref<100000x768xf32, #tpu.memory_space<hbm>>
    tpu.enqueue_indirect_dma source(%dma_start3A_41 : memref<100000x768xf32, #tpu.memory_space<hbm>>) target(%dma_start3A_36 : memref<16x768xf32, #tpu.memory_space<vmem>>) offsets(%dma_start3A_38 : memref<16xi32, #tpu.memory_space<vmem>>) semaphore(%arg10 : memref<!tpu.dma_semaphore, #tpu.memory_space<semaphore_mem>>)
    %scan3A = arith.constant 0 : i32
    %scan3A_42 = arith.constant 0 : i32
    %scan3A_43 = arith.constant 8 : i32
    %scan3A_44 = arith.addi %scan3A_42, %scan3A_43 : i32
    %scan3A_45 = arith.constant 1 : i32
    scf.for %scan3A_166 = %scan3A_42 to %scan3A_44 step %scan3A_45  : i32 {
      %mul3A_167 = arith.constant 8 : i32
      %mul3A_168 = arith.muli %scan3A_166, %mul3A_167 : i32
      %add3A_169 = arith.constant 0 : i32
      %add3A_170 = arith.addi %mul3A_168, %add3A_169 : i32
      %add3A_171 = arith.constant 4 : i32
      %add3A_172 = arith.addi %add3A_170, %add3A_171 : i32
      %lt3A = arith.constant 64 : i32
      %lt3A_173 = arith.cmpi slt, %add3A_172, %lt3A : i32
      %convert_element_type3A = arith.extui %lt3A_173 : i1 to i32
      %cond3A = arith.constant 0 : i32
      %cond3A_174 = arith.cmpi ne, %convert_element_type3A, %cond3A : i32
      scf.if %cond3A_174 {
        %ge3A = arith.constant 8 : i32
        %ge3A_468 = arith.cmpi sge, %add3A_172, %ge3A : i32
        %convert_element_type3A_469 = arith.extui %ge3A_468 : i1 to i32
        %cond3A_470 = arith.constant 0 : i32
        %cond3A_471 = arith.cmpi ne, %convert_element_type3A_469, %cond3A_470 : i32
        scf.if %cond3A_471 {
          %sub3A = arith.constant 8 : i32
          %sub3A_483 = arith.subi %add3A_172, %sub3A : i32
          %mul3A_484 = arith.constant 16 : i32
          %mul3A_485 = arith.muli %sub3A_483, %mul3A_484 : i32
          %add3A_486 = arith.addi %mul3A_2, %mul3A_485 : i32
          %dma_wait3A_487 = arith.constant 4 : i32
          %dma_wait3A_488 = arith.constant 0 : i32
          %dma_wait3A_489 = arith.constant 0 : i32
          %dma_wait3A_490 = tpu.memref_slice %arg6[%dma_wait3A_487, %dma_wait3A_488, %dma_wait3A_489] : memref<8x16x768xf32, #tpu.memory_space<vmem>> -> memref<1x16x768xf32, #tpu.memory_space<vmem>>
          %dma_wait3A_491 = tpu.memref_squeeze %dma_wait3A_490 : memref<1x16x768xf32, #tpu.memory_space<vmem>> -> memref<16x768xf32, #tpu.memory_space<vmem>>
          %dma_wait3A_492 = arith.constant 0 : i32
          %dma_wait3A_493 = tpu.memref_slice %arg4[%add3A_486, %dma_wait3A_492] : memref<32768x768xf32, #tpu.memory_space<hbm>> -> memref<16x768xf32, #tpu.memory_space<hbm>>
          %dma_wait3A_494 = arith.constant 0 : i32
          %dma_wait3A_495 = tpu.memref_slice %arg4[%add3A_486, %dma_wait3A_494] : memref<32768x768xf32, #tpu.memory_space<hbm>> -> memref<16x768xf32, #tpu.memory_space<hbm>>
          %dma_wait3A_496 = arith.constant 0 : i32
          %dma_wait3A_497 = arith.constant 0 : i32
          %dma_wait3A_498 = tpu.memref_slice %arg6[%dma_wait3A_487, %dma_wait3A_496, %dma_wait3A_497] : memref<8x16x768xf32, #tpu.memory_space<vmem>> -> memref<1x16x768xf32, #tpu.memory_space<vmem>>
          %dma_wait3A_499 = tpu.memref_squeeze %dma_wait3A_498 : memref<1x16x768xf32, #tpu.memory_space<vmem>> -> memref<16x768xf32, #tpu.memory_space<vmem>>
          tpu.wait_dma2 semaphore(%arg19 : memref<!tpu.dma_semaphore, #tpu.memory_space<semaphore_mem>>) src(%dma_wait3A_499 : memref<16x768xf32, #tpu.memory_space<vmem>>) dst(%dma_wait3A_495 : memref<16x768xf32, #tpu.memory_space<hbm>>)
        } else {
        }
        %mul3A_472 = arith.constant 16 : i32
        %mul3A_473 = arith.muli %add3A_172, %mul3A_472 : i32
        %dma_start3A_474 = arith.constant 4 : i32
        %dma_start3A_475 = arith.constant 0 : i32
        %dma_start3A_476 = arith.constant 0 : i32
        %dma_start3A_477 = tpu.memref_slice %arg6[%dma_start3A_474, %dma_start3A_475, %dma_start3A_476] : memref<8x16x768xf32, #tpu.memory_space<vmem>> -> memref<1x16x768xf32, #tpu.memory_space<vmem>>
        %dma_start3A_478 = tpu.memref_squeeze %dma_start3A_477 : memref<1x16x768xf32, #tpu.memory_space<vmem>> -> memref<16x768xf32, #tpu.memory_space<vmem>>
        %dma_start3A_479 = tpu.memref_slice %arg5[%mul3A_473] : memref<1024xi32, #tpu.memory_space<vmem>> -> memref<16xi32, #tpu.memory_space<vmem>>
        %dma_start3A_480 = arith.constant 0 : i32
        %dma_start3A_481 = arith.constant 0 : i32
        %dma_start3A_482 = tpu.memref_slice %arg2[%dma_start3A_480, %dma_start3A_481] : memref<100000x768xf32, #tpu.memory_space<hbm>> -> memref<100000x768xf32, #tpu.memory_space<hbm>>
        tpu.enqueue_indirect_dma source(%dma_start3A_482 : memref<100000x768xf32, #tpu.memory_space<hbm>>) target(%dma_start3A_478 : memref<16x768xf32, #tpu.memory_space<vmem>>) offsets(%dma_start3A_479 : memref<16xi32, #tpu.memory_space<vmem>>) semaphore(%arg11 : memref<!tpu.dma_semaphore, #tpu.memory_space<semaphore_mem>>)
      } else {
      }
      %mul3A_175 = arith.constant 16 : i32
      %mul3A_176 = arith.muli %add3A_170, %mul3A_175 : i32
      %dma_wait3A_177 = arith.constant 0 : i32
      %dma_wait3A_178 = arith.constant 0 : i32
      %dma_wait3A_179 = arith.constant 0 : i32
      %dma_wait3A_180 = tpu.memref_slice %arg6[%dma_wait3A_177, %dma_wait3A_178, %dma_wait3A_179] : memref<8x16x768xf32, #tpu.memory_space<vmem>> -> memref<1x16x768xf32, #tpu.memory_space<vmem>>
      %dma_wait3A_181 = tpu.memref_squeeze %dma_wait3A_180 : memref<1x16x768xf32, #tpu.memory_space<vmem>> -> memref<16x768xf32, #tpu.memory_space<vmem>>
      %dma_wait3A_182 = tpu.memref_slice %arg5[%mul3A_176] : memref<1024xi32, #tpu.memory_space<vmem>> -> memref<16xi32, #tpu.memory_space<vmem>>
      %dma_wait3A_183 = arith.constant 0 : i32
      %dma_wait3A_184 = arith.constant 0 : i32
      %dma_wait3A_185 = tpu.memref_slice %arg2[%dma_wait3A_183, %dma_wait3A_184] : memref<100000x768xf32, #tpu.memory_space<hbm>> -> memref<100000x768xf32, #tpu.memory_space<hbm>>
      tpu.wait_indirect_dma semaphore(%arg7 : memref<!tpu.dma_semaphore, #tpu.memory_space<semaphore_mem>>) src(%dma_wait3A_185 : memref<100000x768xf32, #tpu.memory_space<hbm>>) dst(%dma_wait3A_181 : memref<16x768xf32, #tpu.memory_space<vmem>>)
      %mul3A_186 = arith.constant 16 : i32
      %mul3A_187 = arith.muli %add3A_170, %mul3A_186 : i32
      %add3A_188 = arith.addi %mul3A_2, %mul3A_187 : i32
      %dma_start3A_189 = arith.constant 0 : i32
      %dma_start3A_190 = arith.constant 0 : i32
      %dma_start3A_191 = arith.constant 0 : i32
      %dma_start3A_192 = tpu.memref_slice %arg6[%dma_start3A_189, %dma_start3A_190, %dma_start3A_191] : memref<8x16x768xf32, #tpu.memory_space<vmem>> -> memref<1x16x768xf32, #tpu.memory_space<vmem>>
      %dma_start3A_193 = tpu.memref_squeeze %dma_start3A_192 : memref<1x16x768xf32, #tpu.memory_space<vmem>> -> memref<16x768xf32, #tpu.memory_space<vmem>>
      %dma_start3A_194 = arith.constant 0 : i32
      %dma_start3A_195 = tpu.memref_slice %arg4[%add3A_188, %dma_start3A_194] : memref<32768x768xf32, #tpu.memory_space<hbm>> -> memref<16x768xf32, #tpu.memory_space<hbm>>
      %dma_start3A_196 = arith.constant 0 : i32
      %dma_start3A_197 = tpu.memref_slice %arg4[%add3A_188, %dma_start3A_196] : memref<32768x768xf32, #tpu.memory_space<hbm>> -> memref<16x768xf32, #tpu.memory_space<hbm>>
      %dma_start3A_198 = arith.constant 0 : i32
      %dma_start3A_199 = arith.constant 0 : i32
      %dma_start3A_200 = tpu.memref_slice %arg6[%dma_start3A_189, %dma_start3A_198, %dma_start3A_199] : memref<8x16x768xf32, #tpu.memory_space<vmem>> -> memref<1x16x768xf32, #tpu.memory_space<vmem>>
      %dma_start3A_201 = tpu.memref_squeeze %dma_start3A_200 : memref<1x16x768xf32, #tpu.memory_space<vmem>> -> memref<16x768xf32, #tpu.memory_space<vmem>>
      tpu.enqueue_dma source(%dma_start3A_201 : memref<16x768xf32, #tpu.memory_space<vmem>>) target(%dma_start3A_197 : memref<16x768xf32, #tpu.memory_space<hbm>>) target_semaphore(%arg15 : memref<!tpu.dma_semaphore, #tpu.memory_space<semaphore_mem>>)
      %mul3A_202 = arith.constant 8 : i32
      %mul3A_203 = arith.muli %scan3A_166, %mul3A_202 : i32
      %add3A_204 = arith.constant 1 : i32
      %add3A_205 = arith.addi %mul3A_203, %add3A_204 : i32
      %add3A_206 = arith.constant 4 : i32
      %add3A_207 = arith.addi %add3A_205, %add3A_206 : i32
      %lt3A_208 = arith.constant 64 : i32
      %lt3A_209 = arith.cmpi slt, %add3A_207, %lt3A_208 : i32
      %convert_element_type3A_210 = arith.extui %lt3A_209 : i1 to i32
      %cond3A_211 = arith.constant 0 : i32
      %cond3A_212 = arith.cmpi ne, %convert_element_type3A_210, %cond3A_211 : i32
      scf.if %cond3A_212 {
        %ge3A = arith.constant 8 : i32
        %ge3A_468 = arith.cmpi sge, %add3A_207, %ge3A : i32
        %convert_element_type3A_469 = arith.extui %ge3A_468 : i1 to i32
        %cond3A_470 = arith.constant 0 : i32
        %cond3A_471 = arith.cmpi ne, %convert_element_type3A_469, %cond3A_470 : i32
        scf.if %cond3A_471 {
          %sub3A = arith.constant 8 : i32
          %sub3A_483 = arith.subi %add3A_207, %sub3A : i32
          %mul3A_484 = arith.constant 16 : i32
          %mul3A_485 = arith.muli %sub3A_483, %mul3A_484 : i32
          %add3A_486 = arith.addi %mul3A_2, %mul3A_485 : i32
          %dma_wait3A_487 = arith.constant 5 : i32
          %dma_wait3A_488 = arith.constant 0 : i32
          %dma_wait3A_489 = arith.constant 0 : i32
          %dma_wait3A_490 = tpu.memref_slice %arg6[%dma_wait3A_487, %dma_wait3A_488, %dma_wait3A_489] : memref<8x16x768xf32, #tpu.memory_space<vmem>> -> memref<1x16x768xf32, #tpu.memory_space<vmem>>
          %dma_wait3A_491 = tpu.memref_squeeze %dma_wait3A_490 : memref<1x16x768xf32, #tpu.memory_space<vmem>> -> memref<16x768xf32, #tpu.memory_space<vmem>>
          %dma_wait3A_492 = arith.constant 0 : i32
          %dma_wait3A_493 = tpu.memref_slice %arg4[%add3A_486, %dma_wait3A_492] : memref<32768x768xf32, #tpu.memory_space<hbm>> -> memref<16x768xf32, #tpu.memory_space<hbm>>
          %dma_wait3A_494 = arith.constant 0 : i32
          %dma_wait3A_495 = tpu.memref_slice %arg4[%add3A_486, %dma_wait3A_494] : memref<32768x768xf32, #tpu.memory_space<hbm>> -> memref<16x768xf32, #tpu.memory_space<hbm>>
          %dma_wait3A_496 = arith.constant 0 : i32
          %dma_wait3A_497 = arith.constant 0 : i32
          %dma_wait3A_498 = tpu.memref_slice %arg6[%dma_wait3A_487, %dma_wait3A_496, %dma_wait3A_497] : memref<8x16x768xf32, #tpu.memory_space<vmem>> -> memref<1x16x768xf32, #tpu.memory_space<vmem>>
          %dma_wait3A_499 = tpu.memref_squeeze %dma_wait3A_498 : memref<1x16x768xf32, #tpu.memory_space<vmem>> -> memref<16x768xf32, #tpu.memory_space<vmem>>
          tpu.wait_dma2 semaphore(%arg20 : memref<!tpu.dma_semaphore, #tpu.memory_space<semaphore_mem>>) src(%dma_wait3A_499 : memref<16x768xf32, #tpu.memory_space<vmem>>) dst(%dma_wait3A_495 : memref<16x768xf32, #tpu.memory_space<hbm>>)
        } else {
        }
        %mul3A_472 = arith.constant 16 : i32
        %mul3A_473 = arith.muli %add3A_207, %mul3A_472 : i32
        %dma_start3A_474 = arith.constant 5 : i32
        %dma_start3A_475 = arith.constant 0 : i32
        %dma_start3A_476 = arith.constant 0 : i32
        %dma_start3A_477 = tpu.memref_slice %arg6[%dma_start3A_474, %dma_start3A_475, %dma_start3A_476] : memref<8x16x768xf32, #tpu.memory_space<vmem>> -> memref<1x16x768xf32, #tpu.memory_space<vmem>>
        %dma_start3A_478 = tpu.memref_squeeze %dma_start3A_477 : memref<1x16x768xf32, #tpu.memory_space<vmem>> -> memref<16x768xf32, #tpu.memory_space<vmem>>
        %dma_start3A_479 = tpu.memref_slice %arg5[%mul3A_473] : memref<1024xi32, #tpu.memory_space<vmem>> -> memref<16xi32, #tpu.memory_space<vmem>>
        %dma_start3A_480 = arith.constant 0 : i32
        %dma_start3A_481 = arith.constant 0 : i32
        %dma_start3A_482 = tpu.memref_slice %arg2[%dma_start3A_480, %dma_start3A_481] : memref<100000x768xf32, #tpu.memory_space<hbm>> -> memref<100000x768xf32, #tpu.memory_space<hbm>>
        tpu.enqueue_indirect_dma source(%dma_start3A_482 : memref<100000x768xf32, #tpu.memory_space<hbm>>) target(%dma_start3A_478 : memref<16x768xf32, #tpu.memory_space<vmem>>) offsets(%dma_start3A_479 : memref<16xi32, #tpu.memory_space<vmem>>) semaphore(%arg12 : memref<!tpu.dma_semaphore, #tpu.memory_space<semaphore_mem>>)
      } else {
      }
      %mul3A_213 = arith.constant 16 : i32
      %mul3A_214 = arith.muli %add3A_205, %mul3A_213 : i32
      %dma_wait3A_215 = arith.constant 1 : i32
      %dma_wait3A_216 = arith.constant 0 : i32
      %dma_wait3A_217 = arith.constant 0 : i32
      %dma_wait3A_218 = tpu.memref_slice %arg6[%dma_wait3A_215, %dma_wait3A_216, %dma_wait3A_217] : memref<8x16x768xf32, #tpu.memory_space<vmem>> -> memref<1x16x768xf32, #tpu.memory_space<vmem>>
      %dma_wait3A_219 = tpu.memref_squeeze %dma_wait3A_218 : memref<1x16x768xf32, #tpu.memory_space<vmem>> -> memref<16x768xf32, #tpu.memory_space<vmem>>
      %dma_wait3A_220 = tpu.memref_slice %arg5[%mul3A_214] : memref<1024xi32, #tpu.memory_space<vmem>> -> memref<16xi32, #tpu.memory_space<vmem>>
      %dma_wait3A_221 = arith.constant 0 : i32
      %dma_wait3A_222 = arith.constant 0 : i32
      %dma_wait3A_223 = tpu.memref_slice %arg2[%dma_wait3A_221, %dma_wait3A_222] : memref<100000x768xf32, #tpu.memory_space<hbm>> -> memref<100000x768xf32, #tpu.memory_space<hbm>>
      tpu.wait_indirect_dma semaphore(%arg8 : memref<!tpu.dma_semaphore, #tpu.memory_space<semaphore_mem>>) src(%dma_wait3A_223 : memref<100000x768xf32, #tpu.memory_space<hbm>>) dst(%dma_wait3A_219 : memref<16x768xf32, #tpu.memory_space<vmem>>)
      %mul3A_224 = arith.constant 16 : i32
      %mul3A_225 = arith.muli %add3A_205, %mul3A_224 : i32
      %add3A_226 = arith.addi %mul3A_2, %mul3A_225 : i32
      %dma_start3A_227 = arith.constant 1 : i32
      %dma_start3A_228 = arith.constant 0 : i32
      %dma_start3A_229 = arith.constant 0 : i32
      %dma_start3A_230 = tpu.memref_slice %arg6[%dma_start3A_227, %dma_start3A_228, %dma_start3A_229] : memref<8x16x768xf32, #tpu.memory_space<vmem>> -> memref<1x16x768xf32, #tpu.memory_space<vmem>>
      %dma_start3A_231 = tpu.memref_squeeze %dma_start3A_230 : memref<1x16x768xf32, #tpu.memory_space<vmem>> -> memref<16x768xf32, #tpu.memory_space<vmem>>
      %dma_start3A_232 = arith.constant 0 : i32
      %dma_start3A_233 = tpu.memref_slice %arg4[%add3A_226, %dma_start3A_232] : memref<32768x768xf32, #tpu.memory_space<hbm>> -> memref<16x768xf32, #tpu.memory_space<hbm>>
      %dma_start3A_234 = arith.constant 0 : i32
      %dma_start3A_235 = tpu.memref_slice %arg4[%add3A_226, %dma_start3A_234] : memref<32768x768xf32, #tpu.memory_space<hbm>> -> memref<16x768xf32, #tpu.memory_space<hbm>>
      %dma_start3A_236 = arith.constant 0 : i32
      %dma_start3A_237 = arith.constant 0 : i32
      %dma_start3A_238 = tpu.memref_slice %arg6[%dma_start3A_227, %dma_start3A_236, %dma_start3A_237] : memref<8x16x768xf32, #tpu.memory_space<vmem>> -> memref<1x16x768xf32, #tpu.memory_space<vmem>>
      %dma_start3A_239 = tpu.memref_squeeze %dma_start3A_238 : memref<1x16x768xf32, #tpu.memory_space<vmem>> -> memref<16x768xf32, #tpu.memory_space<vmem>>
      tpu.enqueue_dma source(%dma_start3A_239 : memref<16x768xf32, #tpu.memory_space<vmem>>) target(%dma_start3A_235 : memref<16x768xf32, #tpu.memory_space<hbm>>) target_semaphore(%arg16 : memref<!tpu.dma_semaphore, #tpu.memory_space<semaphore_mem>>)
      %mul3A_240 = arith.constant 8 : i32
      %mul3A_241 = arith.muli %scan3A_166, %mul3A_240 : i32
      %add3A_242 = arith.constant 2 : i32
      %add3A_243 = arith.addi %mul3A_241, %add3A_242 : i32
      %add3A_244 = arith.constant 4 : i32
      %add3A_245 = arith.addi %add3A_243, %add3A_244 : i32
      %lt3A_246 = arith.constant 64 : i32
      %lt3A_247 = arith.cmpi slt, %add3A_245, %lt3A_246 : i32
      %convert_element_type3A_248 = arith.extui %lt3A_247 : i1 to i32
      %cond3A_249 = arith.constant 0 : i32
      %cond3A_250 = arith.cmpi ne, %convert_element_type3A_248, %cond3A_249 : i32
      scf.if %cond3A_250 {
        %ge3A = arith.constant 8 : i32
        %ge3A_468 = arith.cmpi sge, %add3A_245, %ge3A : i32
        %convert_element_type3A_469 = arith.extui %ge3A_468 : i1 to i32
        %cond3A_470 = arith.constant 0 : i32
        %cond3A_471 = arith.cmpi ne, %convert_element_type3A_469, %cond3A_470 : i32
        scf.if %cond3A_471 {
          %sub3A = arith.constant 8 : i32
          %sub3A_483 = arith.subi %add3A_245, %sub3A : i32
          %mul3A_484 = arith.constant 16 : i32
          %mul3A_485 = arith.muli %sub3A_483, %mul3A_484 : i32
          %add3A_486 = arith.addi %mul3A_2, %mul3A_485 : i32
          %dma_wait3A_487 = arith.constant 6 : i32
          %dma_wait3A_488 = arith.constant 0 : i32
          %dma_wait3A_489 = arith.constant 0 : i32
          %dma_wait3A_490 = tpu.memref_slice %arg6[%dma_wait3A_487, %dma_wait3A_488, %dma_wait3A_489] : memref<8x16x768xf32, #tpu.memory_space<vmem>> -> memref<1x16x768xf32, #tpu.memory_space<vmem>>
          %dma_wait3A_491 = tpu.memref_squeeze %dma_wait3A_490 : memref<1x16x768xf32, #tpu.memory_space<vmem>> -> memref<16x768xf32, #tpu.memory_space<vmem>>
          %dma_wait3A_492 = arith.constant 0 : i32
          %dma_wait3A_493 = tpu.memref_slice %arg4[%add3A_486, %dma_wait3A_492] : memref<32768x768xf32, #tpu.memory_space<hbm>> -> memref<16x768xf32, #tpu.memory_space<hbm>>
          %dma_wait3A_494 = arith.constant 0 : i32
          %dma_wait3A_495 = tpu.memref_slice %arg4[%add3A_486, %dma_wait3A_494] : memref<32768x768xf32, #tpu.memory_space<hbm>> -> memref<16x768xf32, #tpu.memory_space<hbm>>
          %dma_wait3A_496 = arith.constant 0 : i32
          %dma_wait3A_497 = arith.constant 0 : i32
          %dma_wait3A_498 = tpu.memref_slice %arg6[%dma_wait3A_487, %dma_wait3A_496, %dma_wait3A_497] : memref<8x16x768xf32, #tpu.memory_space<vmem>> -> memref<1x16x768xf32, #tpu.memory_space<vmem>>
          %dma_wait3A_499 = tpu.memref_squeeze %dma_wait3A_498 : memref<1x16x768xf32, #tpu.memory_space<vmem>> -> memref<16x768xf32, #tpu.memory_space<vmem>>
          tpu.wait_dma2 semaphore(%arg21 : memref<!tpu.dma_semaphore, #tpu.memory_space<semaphore_mem>>) src(%dma_wait3A_499 : memref<16x768xf32, #tpu.memory_space<vmem>>) dst(%dma_wait3A_495 : memref<16x768xf32, #tpu.memory_space<hbm>>)
        } else {
        }
        %mul3A_472 = arith.constant 16 : i32
        %mul3A_473 = arith.muli %add3A_245, %mul3A_472 : i32
        %dma_start3A_474 = arith.constant 6 : i32
        %dma_start3A_475 = arith.constant 0 : i32
        %dma_start3A_476 = arith.constant 0 : i32
        %dma_start3A_477 = tpu.memref_slice %arg6[%dma_start3A_474, %dma_start3A_475, %dma_start3A_476] : memref<8x16x768xf32, #tpu.memory_space<vmem>> -> memref<1x16x768xf32, #tpu.memory_space<vmem>>
        %dma_start3A_478 = tpu.memref_squeeze %dma_start3A_477 : memref<1x16x768xf32, #tpu.memory_space<vmem>> -> memref<16x768xf32, #tpu.memory_space<vmem>>
        %dma_start3A_479 = tpu.memref_slice %arg5[%mul3A_473] : memref<1024xi32, #tpu.memory_space<vmem>> -> memref<16xi32, #tpu.memory_space<vmem>>
        %dma_start3A_480 = arith.constant 0 : i32
        %dma_start3A_481 = arith.constant 0 : i32
        %dma_start3A_482 = tpu.memref_slice %arg2[%dma_start3A_480, %dma_start3A_481] : memref<100000x768xf32, #tpu.memory_space<hbm>> -> memref<100000x768xf32, #tpu.memory_space<hbm>>
        tpu.enqueue_indirect_dma source(%dma_start3A_482 : memref<100000x768xf32, #tpu.memory_space<hbm>>) target(%dma_start3A_478 : memref<16x768xf32, #tpu.memory_space<vmem>>) offsets(%dma_start3A_479 : memref<16xi32, #tpu.memory_space<vmem>>) semaphore(%arg13 : memref<!tpu.dma_semaphore, #tpu.memory_space<semaphore_mem>>)
      } else {
      }
      %mul3A_251 = arith.constant 16 : i32
      %mul3A_252 = arith.muli %add3A_243, %mul3A_251 : i32
      %dma_wait3A_253 = arith.constant 2 : i32
      %dma_wait3A_254 = arith.constant 0 : i32
      %dma_wait3A_255 = arith.constant 0 : i32
      %dma_wait3A_256 = tpu.memref_slice %arg6[%dma_wait3A_253, %dma_wait3A_254, %dma_wait3A_255] : memref<8x16x768xf32, #tpu.memory_space<vmem>> -> memref<1x16x768xf32, #tpu.memory_space<vmem>>
      %dma_wait3A_257 = tpu.memref_squeeze %dma_wait3A_256 : memref<1x16x768xf32, #tpu.memory_space<vmem>> -> memref<16x768xf32, #tpu.memory_space<vmem>>
      %dma_wait3A_258 = tpu.memref_slice %arg5[%mul3A_252] : memref<1024xi32, #tpu.memory_space<vmem>> -> memref<16xi32, #tpu.memory_space<vmem>>
      %dma_wait3A_259 = arith.constant 0 : i32
      %dma_wait3A_260 = arith.constant 0 : i32
      %dma_wait3A_261 = tpu.memref_slice %arg2[%dma_wait3A_259, %dma_wait3A_260] : memref<100000x768xf32, #tpu.memory_space<hbm>> -> memref<100000x768xf32, #tpu.memory_space<hbm>>
      tpu.wait_indirect_dma semaphore(%arg9 : memref<!tpu.dma_semaphore, #tpu.memory_space<semaphore_mem>>) src(%dma_wait3A_261 : memref<100000x768xf32, #tpu.memory_space<hbm>>) dst(%dma_wait3A_257 : memref<16x768xf32, #tpu.memory_space<vmem>>)
      %mul3A_262 = arith.constant 16 : i32
      %mul3A_263 = arith.muli %add3A_243, %mul3A_262 : i32
      %add3A_264 = arith.addi %mul3A_2, %mul3A_263 : i32
      %dma_start3A_265 = arith.constant 2 : i32
      %dma_start3A_266 = arith.constant 0 : i32
      %dma_start3A_267 = arith.constant 0 : i32
      %dma_start3A_268 = tpu.memref_slice %arg6[%dma_start3A_265, %dma_start3A_266, %dma_start3A_267] : memref<8x16x768xf32, #tpu.memory_space<vmem>> -> memref<1x16x768xf32, #tpu.memory_space<vmem>>
      %dma_start3A_269 = tpu.memref_squeeze %dma_start3A_268 : memref<1x16x768xf32, #tpu.memory_space<vmem>> -> memref<16x768xf32, #tpu.memory_space<vmem>>
      %dma_start3A_270 = arith.constant 0 : i32
      %dma_start3A_271 = tpu.memref_slice %arg4[%add3A_264, %dma_start3A_270] : memref<32768x768xf32, #tpu.memory_space<hbm>> -> memref<16x768xf32, #tpu.memory_space<hbm>>
      %dma_start3A_272 = arith.constant 0 : i32
      %dma_start3A_273 = tpu.memref_slice %arg4[%add3A_264, %dma_start3A_272] : memref<32768x768xf32, #tpu.memory_space<hbm>> -> memref<16x768xf32, #tpu.memory_space<hbm>>
      %dma_start3A_274 = arith.constant 0 : i32
      %dma_start3A_275 = arith.constant 0 : i32
      %dma_start3A_276 = tpu.memref_slice %arg6[%dma_start3A_265, %dma_start3A_274, %dma_start3A_275] : memref<8x16x768xf32, #tpu.memory_space<vmem>> -> memref<1x16x768xf32, #tpu.memory_space<vmem>>
      %dma_start3A_277 = tpu.memref_squeeze %dma_start3A_276 : memref<1x16x768xf32, #tpu.memory_space<vmem>> -> memref<16x768xf32, #tpu.memory_space<vmem>>
      tpu.enqueue_dma source(%dma_start3A_277 : memref<16x768xf32, #tpu.memory_space<vmem>>) target(%dma_start3A_273 : memref<16x768xf32, #tpu.memory_space<hbm>>) target_semaphore(%arg17 : memref<!tpu.dma_semaphore, #tpu.memory_space<semaphore_mem>>)
      %mul3A_278 = arith.constant 8 : i32
      %mul3A_279 = arith.muli %scan3A_166, %mul3A_278 : i32
      %add3A_280 = arith.constant 3 : i32
      %add3A_281 = arith.addi %mul3A_279, %add3A_280 : i32
      %add3A_282 = arith.constant 4 : i32
      %add3A_283 = arith.addi %add3A_281, %add3A_282 : i32
      %lt3A_284 = arith.constant 64 : i32
      %lt3A_285 = arith.cmpi slt, %add3A_283, %lt3A_284 : i32
      %convert_element_type3A_286 = arith.extui %lt3A_285 : i1 to i32
      %cond3A_287 = arith.constant 0 : i32
      %cond3A_288 = arith.cmpi ne, %convert_element_type3A_286, %cond3A_287 : i32
      scf.if %cond3A_288 {
        %ge3A = arith.constant 8 : i32
        %ge3A_468 = arith.cmpi sge, %add3A_283, %ge3A : i32
        %convert_element_type3A_469 = arith.extui %ge3A_468 : i1 to i32
        %cond3A_470 = arith.constant 0 : i32
        %cond3A_471 = arith.cmpi ne, %convert_element_type3A_469, %cond3A_470 : i32
        scf.if %cond3A_471 {
          %sub3A = arith.constant 8 : i32
          %sub3A_483 = arith.subi %add3A_283, %sub3A : i32
          %mul3A_484 = arith.constant 16 : i32
          %mul3A_485 = arith.muli %sub3A_483, %mul3A_484 : i32
          %add3A_486 = arith.addi %mul3A_2, %mul3A_485 : i32
          %dma_wait3A_487 = arith.constant 7 : i32
          %dma_wait3A_488 = arith.constant 0 : i32
          %dma_wait3A_489 = arith.constant 0 : i32
          %dma_wait3A_490 = tpu.memref_slice %arg6[%dma_wait3A_487, %dma_wait3A_488, %dma_wait3A_489] : memref<8x16x768xf32, #tpu.memory_space<vmem>> -> memref<1x16x768xf32, #tpu.memory_space<vmem>>
          %dma_wait3A_491 = tpu.memref_squeeze %dma_wait3A_490 : memref<1x16x768xf32, #tpu.memory_space<vmem>> -> memref<16x768xf32, #tpu.memory_space<vmem>>
          %dma_wait3A_492 = arith.constant 0 : i32
          %dma_wait3A_493 = tpu.memref_slice %arg4[%add3A_486, %dma_wait3A_492] : memref<32768x768xf32, #tpu.memory_space<hbm>> -> memref<16x768xf32, #tpu.memory_space<hbm>>
          %dma_wait3A_494 = arith.constant 0 : i32
          %dma_wait3A_495 = tpu.memref_slice %arg4[%add3A_486, %dma_wait3A_494] : memref<32768x768xf32, #tpu.memory_space<hbm>> -> memref<16x768xf32, #tpu.memory_space<hbm>>
          %dma_wait3A_496 = arith.constant 0 : i32
          %dma_wait3A_497 = arith.constant 0 : i32
          %dma_wait3A_498 = tpu.memref_slice %arg6[%dma_wait3A_487, %dma_wait3A_496, %dma_wait3A_497] : memref<8x16x768xf32, #tpu.memory_space<vmem>> -> memref<1x16x768xf32, #tpu.memory_space<vmem>>
          %dma_wait3A_499 = tpu.memref_squeeze %dma_wait3A_498 : memref<1x16x768xf32, #tpu.memory_space<vmem>> -> memref<16x768xf32, #tpu.memory_space<vmem>>
          tpu.wait_dma2 semaphore(%arg22 : memref<!tpu.dma_semaphore, #tpu.memory_space<semaphore_mem>>) src(%dma_wait3A_499 : memref<16x768xf32, #tpu.memory_space<vmem>>) dst(%dma_wait3A_495 : memref<16x768xf32, #tpu.memory_space<hbm>>)
        } else {
        }
        %mul3A_472 = arith.constant 16 : i32
        %mul3A_473 = arith.muli %add3A_283, %mul3A_472 : i32
        %dma_start3A_474 = arith.constant 7 : i32
        %dma_start3A_475 = arith.constant 0 : i32
        %dma_start3A_476 = arith.constant 0 : i32
        %dma_start3A_477 = tpu.memref_slice %arg6[%dma_start3A_474, %dma_start3A_475, %dma_start3A_476] : memref<8x16x768xf32, #tpu.memory_space<vmem>> -> memref<1x16x768xf32, #tpu.memory_space<vmem>>
        %dma_start3A_478 = tpu.memref_squeeze %dma_start3A_477 : memref<1x16x768xf32, #tpu.memory_space<vmem>> -> memref<16x768xf32, #tpu.memory_space<vmem>>
        %dma_start3A_479 = tpu.memref_slice %arg5[%mul3A_473] : memref<1024xi32, #tpu.memory_space<vmem>> -> memref<16xi32, #tpu.memory_space<vmem>>
        %dma_start3A_480 = arith.constant 0 : i32
        %dma_start3A_481 = arith.constant 0 : i32
        %dma_start3A_482 = tpu.memref_slice %arg2[%dma_start3A_480, %dma_start3A_481] : memref<100000x768xf32, #tpu.memory_space<hbm>> -> memref<100000x768xf32, #tpu.memory_space<hbm>>
        tpu.enqueue_indirect_dma source(%dma_start3A_482 : memref<100000x768xf32, #tpu.memory_space<hbm>>) target(%dma_start3A_478 : memref<16x768xf32, #tpu.memory_space<vmem>>) offsets(%dma_start3A_479 : memref<16xi32, #tpu.memory_space<vmem>>) semaphore(%arg14 : memref<!tpu.dma_semaphore, #tpu.memory_space<semaphore_mem>>)
      } else {
      }
      %mul3A_289 = arith.constant 16 : i32
      %mul3A_290 = arith.muli %add3A_281, %mul3A_289 : i32
      %dma_wait3A_291 = arith.constant 3 : i32
      %dma_wait3A_292 = arith.constant 0 : i32
      %dma_wait3A_293 = arith.constant 0 : i32
      %dma_wait3A_294 = tpu.memref_slice %arg6[%dma_wait3A_291, %dma_wait3A_292, %dma_wait3A_293] : memref<8x16x768xf32, #tpu.memory_space<vmem>> -> memref<1x16x768xf32, #tpu.memory_space<vmem>>
      %dma_wait3A_295 = tpu.memref_squeeze %dma_wait3A_294 : memref<1x16x768xf32, #tpu.memory_space<vmem>> -> memref<16x768xf32, #tpu.memory_space<vmem>>
      %dma_wait3A_296 = tpu.memref_slice %arg5[%mul3A_290] : memref<1024xi32, #tpu.memory_space<vmem>> -> memref<16xi32, #tpu.memory_space<vmem>>
      %dma_wait3A_297 = arith.constant 0 : i32
      %dma_wait3A_298 = arith.constant 0 : i32
      %dma_wait3A_299 = tpu.memref_slice %arg2[%dma_wait3A_297, %dma_wait3A_298] : memref<100000x768xf32, #tpu.memory_space<hbm>> -> memref<100000x768xf32, #tpu.memory_space<hbm>>
      tpu.wait_indirect_dma semaphore(%arg10 : memref<!tpu.dma_semaphore, #tpu.memory_space<semaphore_mem>>) src(%dma_wait3A_299 : memref<100000x768xf32, #tpu.memory_space<hbm>>) dst(%dma_wait3A_295 : memref<16x768xf32, #tpu.memory_space<vmem>>)
      %mul3A_300 = arith.constant 16 : i32
      %mul3A_301 = arith.muli %add3A_281, %mul3A_300 : i32
      %add3A_302 = arith.addi %mul3A_2, %mul3A_301 : i32
      %dma_start3A_303 = arith.constant 3 : i32
      %dma_start3A_304 = arith.constant 0 : i32
      %dma_start3A_305 = arith.constant 0 : i32
      %dma_start3A_306 = tpu.memref_slice %arg6[%dma_start3A_303, %dma_start3A_304, %dma_start3A_305] : memref<8x16x768xf32, #tpu.memory_space<vmem>> -> memref<1x16x768xf32, #tpu.memory_space<vmem>>
      %dma_start3A_307 = tpu.memref_squeeze %dma_start3A_306 : memref<1x16x768xf32, #tpu.memory_space<vmem>> -> memref<16x768xf32, #tpu.memory_space<vmem>>
      %dma_start3A_308 = arith.constant 0 : i32
      %dma_start3A_309 = tpu.memref_slice %arg4[%add3A_302, %dma_start3A_308] : memref<32768x768xf32, #tpu.memory_space<hbm>> -> memref<16x768xf32, #tpu.memory_space<hbm>>
      %dma_start3A_310 = arith.constant 0 : i32
      %dma_start3A_311 = tpu.memref_slice %arg4[%add3A_302, %dma_start3A_310] : memref<32768x768xf32, #tpu.memory_space<hbm>> -> memref<16x768xf32, #tpu.memory_space<hbm>>
      %dma_start3A_312 = arith.constant 0 : i32
      %dma_start3A_313 = arith.constant 0 : i32
      %dma_start3A_314 = tpu.memref_slice %arg6[%dma_start3A_303, %dma_start3A_312, %dma_start3A_313] : memref<8x16x768xf32, #tpu.memory_space<vmem>> -> memref<1x16x768xf32, #tpu.memory_space<vmem>>
      %dma_start3A_315 = tpu.memref_squeeze %dma_start3A_314 : memref<1x16x768xf32, #tpu.memory_space<vmem>> -> memref<16x768xf32, #tpu.memory_space<vmem>>
      tpu.enqueue_dma source(%dma_start3A_315 : memref<16x768xf32, #tpu.memory_space<vmem>>) target(%dma_start3A_311 : memref<16x768xf32, #tpu.memory_space<hbm>>) target_semaphore(%arg18 : memref<!tpu.dma_semaphore, #tpu.memory_space<semaphore_mem>>)
      %mul3A_316 = arith.constant 8 : i32
      %mul3A_317 = arith.muli %scan3A_166, %mul3A_316 : i32
      %add3A_318 = arith.constant 4 : i32
      %add3A_319 = arith.addi %mul3A_317, %add3A_318 : i32
      %add3A_320 = arith.constant 4 : i32
      %add3A_321 = arith.addi %add3A_319, %add3A_320 : i32
      %lt3A_322 = arith.constant 64 : i32
      %lt3A_323 = arith.cmpi slt, %add3A_321, %lt3A_322 : i32
      %convert_element_type3A_324 = arith.extui %lt3A_323 : i1 to i32
      %cond3A_325 = arith.constant 0 : i32
      %cond3A_326 = arith.cmpi ne, %convert_element_type3A_324, %cond3A_325 : i32
      scf.if %cond3A_326 {
        %ge3A = arith.constant 8 : i32
        %ge3A_468 = arith.cmpi sge, %add3A_321, %ge3A : i32
        %convert_element_type3A_469 = arith.extui %ge3A_468 : i1 to i32
        %cond3A_470 = arith.constant 0 : i32
        %cond3A_471 = arith.cmpi ne, %convert_element_type3A_469, %cond3A_470 : i32
        scf.if %cond3A_471 {
          %sub3A = arith.constant 8 : i32
          %sub3A_483 = arith.subi %add3A_321, %sub3A : i32
          %mul3A_484 = arith.constant 16 : i32
          %mul3A_485 = arith.muli %sub3A_483, %mul3A_484 : i32
          %add3A_486 = arith.addi %mul3A_2, %mul3A_485 : i32
          %dma_wait3A_487 = arith.constant 0 : i32
          %dma_wait3A_488 = arith.constant 0 : i32
          %dma_wait3A_489 = arith.constant 0 : i32
          %dma_wait3A_490 = tpu.memref_slice %arg6[%dma_wait3A_487, %dma_wait3A_488, %dma_wait3A_489] : memref<8x16x768xf32, #tpu.memory_space<vmem>> -> memref<1x16x768xf32, #tpu.memory_space<vmem>>
          %dma_wait3A_491 = tpu.memref_squeeze %dma_wait3A_490 : memref<1x16x768xf32, #tpu.memory_space<vmem>> -> memref<16x768xf32, #tpu.memory_space<vmem>>
          %dma_wait3A_492 = arith.constant 0 : i32
          %dma_wait3A_493 = tpu.memref_slice %arg4[%add3A_486, %dma_wait3A_492] : memref<32768x768xf32, #tpu.memory_space<hbm>> -> memref<16x768xf32, #tpu.memory_space<hbm>>
          %dma_wait3A_494 = arith.constant 0 : i32
          %dma_wait3A_495 = tpu.memref_slice %arg4[%add3A_486, %dma_wait3A_494] : memref<32768x768xf32, #tpu.memory_space<hbm>> -> memref<16x768xf32, #tpu.memory_space<hbm>>
          %dma_wait3A_496 = arith.constant 0 : i32
          %dma_wait3A_497 = arith.constant 0 : i32
          %dma_wait3A_498 = tpu.memref_slice %arg6[%dma_wait3A_487, %dma_wait3A_496, %dma_wait3A_497] : memref<8x16x768xf32, #tpu.memory_space<vmem>> -> memref<1x16x768xf32, #tpu.memory_space<vmem>>
          %dma_wait3A_499 = tpu.memref_squeeze %dma_wait3A_498 : memref<1x16x768xf32, #tpu.memory_space<vmem>> -> memref<16x768xf32, #tpu.memory_space<vmem>>
          tpu.wait_dma2 semaphore(%arg15 : memref<!tpu.dma_semaphore, #tpu.memory_space<semaphore_mem>>) src(%dma_wait3A_499 : memref<16x768xf32, #tpu.memory_space<vmem>>) dst(%dma_wait3A_495 : memref<16x768xf32, #tpu.memory_space<hbm>>)
        } else {
        }
        %mul3A_472 = arith.constant 16 : i32
        %mul3A_473 = arith.muli %add3A_321, %mul3A_472 : i32
        %dma_start3A_474 = arith.constant 0 : i32
        %dma_start3A_475 = arith.constant 0 : i32
        %dma_start3A_476 = arith.constant 0 : i32
        %dma_start3A_477 = tpu.memref_slice %arg6[%dma_start3A_474, %dma_start3A_475, %dma_start3A_476] : memref<8x16x768xf32, #tpu.memory_space<vmem>> -> memref<1x16x768xf32, #tpu.memory_space<vmem>>
        %dma_start3A_478 = tpu.memref_squeeze %dma_start3A_477 : memref<1x16x768xf32, #tpu.memory_space<vmem>> -> memref<16x768xf32, #tpu.memory_space<vmem>>
        %dma_start3A_479 = tpu.memref_slice %arg5[%mul3A_473] : memref<1024xi32, #tpu.memory_space<vmem>> -> memref<16xi32, #tpu.memory_space<vmem>>
        %dma_start3A_480 = arith.constant 0 : i32
        %dma_start3A_481 = arith.constant 0 : i32
        %dma_start3A_482 = tpu.memref_slice %arg2[%dma_start3A_480, %dma_start3A_481] : memref<100000x768xf32, #tpu.memory_space<hbm>> -> memref<100000x768xf32, #tpu.memory_space<hbm>>
        tpu.enqueue_indirect_dma source(%dma_start3A_482 : memref<100000x768xf32, #tpu.memory_space<hbm>>) target(%dma_start3A_478 : memref<16x768xf32, #tpu.memory_space<vmem>>) offsets(%dma_start3A_479 : memref<16xi32, #tpu.memory_space<vmem>>) semaphore(%arg7 : memref<!tpu.dma_semaphore, #tpu.memory_space<semaphore_mem>>)
      } else {
      }
      %mul3A_327 = arith.constant 16 : i32
      %mul3A_328 = arith.muli %add3A_319, %mul3A_327 : i32
      %dma_wait3A_329 = arith.constant 4 : i32
      %dma_wait3A_330 = arith.constant 0 : i32
      %dma_wait3A_331 = arith.constant 0 : i32
      %dma_wait3A_332 = tpu.memref_slice %arg6[%dma_wait3A_329, %dma_wait3A_330, %dma_wait3A_331] : memref<8x16x768xf32, #tpu.memory_space<vmem>> -> memref<1x16x768xf32, #tpu.memory_space<vmem>>
      %dma_wait3A_333 = tpu.memref_squeeze %dma_wait3A_332 : memref<1x16x768xf32, #tpu.memory_space<vmem>> -> memref<16x768xf32, #tpu.memory_space<vmem>>
      %dma_wait3A_334 = tpu.memref_slice %arg5[%mul3A_328] : memref<1024xi32, #tpu.memory_space<vmem>> -> memref<16xi32, #tpu.memory_space<vmem>>
      %dma_wait3A_335 = arith.constant 0 : i32
      %dma_wait3A_336 = arith.constant 0 : i32
      %dma_wait3A_337 = tpu.memref_slice %arg2[%dma_wait3A_335, %dma_wait3A_336] : memref<100000x768xf32, #tpu.memory_space<hbm>> -> memref<100000x768xf32, #tpu.memory_space<hbm>>
      tpu.wait_indirect_dma semaphore(%arg11 : memref<!tpu.dma_semaphore, #tpu.memory_space<semaphore_mem>>) src(%dma_wait3A_337 : memref<100000x768xf32, #tpu.memory_space<hbm>>) dst(%dma_wait3A_333 : memref<16x768xf32, #tpu.memory_space<vmem>>)
      %mul3A_338 = arith.constant 16 : i32
      %mul3A_339 = arith.muli %add3A_319, %mul3A_338 : i32
      %add3A_340 = arith.addi %mul3A_2, %mul3A_339 : i32
      %dma_start3A_341 = arith.constant 4 : i32
      %dma_start3A_342 = arith.constant 0 : i32
      %dma_start3A_343 = arith.constant 0 : i32
      %dma_start3A_344 = tpu.memref_slice %arg6[%dma_start3A_341, %dma_start3A_342, %dma_start3A_343] : memref<8x16x768xf32, #tpu.memory_space<vmem>> -> memref<1x16x768xf32, #tpu.memory_space<vmem>>
      %dma_start3A_345 = tpu.memref_squeeze %dma_start3A_344 : memref<1x16x768xf32, #tpu.memory_space<vmem>> -> memref<16x768xf32, #tpu.memory_space<vmem>>
      %dma_start3A_346 = arith.constant 0 : i32
      %dma_start3A_347 = tpu.memref_slice %arg4[%add3A_340, %dma_start3A_346] : memref<32768x768xf32, #tpu.memory_space<hbm>> -> memref<16x768xf32, #tpu.memory_space<hbm>>
      %dma_start3A_348 = arith.constant 0 : i32
      %dma_start3A_349 = tpu.memref_slice %arg4[%add3A_340, %dma_start3A_348] : memref<32768x768xf32, #tpu.memory_space<hbm>> -> memref<16x768xf32, #tpu.memory_space<hbm>>
      %dma_start3A_350 = arith.constant 0 : i32
      %dma_start3A_351 = arith.constant 0 : i32
      %dma_start3A_352 = tpu.memref_slice %arg6[%dma_start3A_341, %dma_start3A_350, %dma_start3A_351] : memref<8x16x768xf32, #tpu.memory_space<vmem>> -> memref<1x16x768xf32, #tpu.memory_space<vmem>>
      %dma_start3A_353 = tpu.memref_squeeze %dma_start3A_352 : memref<1x16x768xf32, #tpu.memory_space<vmem>> -> memref<16x768xf32, #tpu.memory_space<vmem>>
      tpu.enqueue_dma source(%dma_start3A_353 : memref<16x768xf32, #tpu.memory_space<vmem>>) target(%dma_start3A_349 : memref<16x768xf32, #tpu.memory_space<hbm>>) target_semaphore(%arg19 : memref<!tpu.dma_semaphore, #tpu.memory_space<semaphore_mem>>)
      %mul3A_354 = arith.constant 8 : i32
      %mul3A_355 = arith.muli %scan3A_166, %mul3A_354 : i32
      %add3A_356 = arith.constant 5 : i32
      %add3A_357 = arith.addi %mul3A_355, %add3A_356 : i32
      %add3A_358 = arith.constant 4 : i32
      %add3A_359 = arith.addi %add3A_357, %add3A_358 : i32
      %lt3A_360 = arith.constant 64 : i32
      %lt3A_361 = arith.cmpi slt, %add3A_359, %lt3A_360 : i32
      %convert_element_type3A_362 = arith.extui %lt3A_361 : i1 to i32
      %cond3A_363 = arith.constant 0 : i32
      %cond3A_364 = arith.cmpi ne, %convert_element_type3A_362, %cond3A_363 : i32
      scf.if %cond3A_364 {
        %ge3A = arith.constant 8 : i32
        %ge3A_468 = arith.cmpi sge, %add3A_359, %ge3A : i32
        %convert_element_type3A_469 = arith.extui %ge3A_468 : i1 to i32
        %cond3A_470 = arith.constant 0 : i32
        %cond3A_471 = arith.cmpi ne, %convert_element_type3A_469, %cond3A_470 : i32
        scf.if %cond3A_471 {
          %sub3A = arith.constant 8 : i32
          %sub3A_483 = arith.subi %add3A_359, %sub3A : i32
          %mul3A_484 = arith.constant 16 : i32
          %mul3A_485 = arith.muli %sub3A_483, %mul3A_484 : i32
          %add3A_486 = arith.addi %mul3A_2, %mul3A_485 : i32
          %dma_wait3A_487 = arith.constant 1 : i32
          %dma_wait3A_488 = arith.constant 0 : i32
          %dma_wait3A_489 = arith.constant 0 : i32
          %dma_wait3A_490 = tpu.memref_slice %arg6[%dma_wait3A_487, %dma_wait3A_488, %dma_wait3A_489] : memref<8x16x768xf32, #tpu.memory_space<vmem>> -> memref<1x16x768xf32, #tpu.memory_space<vmem>>
          %dma_wait3A_491 = tpu.memref_squeeze %dma_wait3A_490 : memref<1x16x768xf32, #tpu.memory_space<vmem>> -> memref<16x768xf32, #tpu.memory_space<vmem>>
          %dma_wait3A_492 = arith.constant 0 : i32
          %dma_wait3A_493 = tpu.memref_slice %arg4[%add3A_486, %dma_wait3A_492] : memref<32768x768xf32, #tpu.memory_space<hbm>> -> memref<16x768xf32, #tpu.memory_space<hbm>>
          %dma_wait3A_494 = arith.constant 0 : i32
          %dma_wait3A_495 = tpu.memref_slice %arg4[%add3A_486, %dma_wait3A_494] : memref<32768x768xf32, #tpu.memory_space<hbm>> -> memref<16x768xf32, #tpu.memory_space<hbm>>
          %dma_wait3A_496 = arith.constant 0 : i32
          %dma_wait3A_497 = arith.constant 0 : i32
          %dma_wait3A_498 = tpu.memref_slice %arg6[%dma_wait3A_487, %dma_wait3A_496, %dma_wait3A_497] : memref<8x16x768xf32, #tpu.memory_space<vmem>> -> memref<1x16x768xf32, #tpu.memory_space<vmem>>
          %dma_wait3A_499 = tpu.memref_squeeze %dma_wait3A_498 : memref<1x16x768xf32, #tpu.memory_space<vmem>> -> memref<16x768xf32, #tpu.memory_space<vmem>>
          tpu.wait_dma2 semaphore(%arg16 : memref<!tpu.dma_semaphore, #tpu.memory_space<semaphore_mem>>) src(%dma_wait3A_499 : memref<16x768xf32, #tpu.memory_space<vmem>>) dst(%dma_wait3A_495 : memref<16x768xf32, #tpu.memory_space<hbm>>)
        } else {
        }
        %mul3A_472 = arith.constant 16 : i32
        %mul3A_473 = arith.muli %add3A_359, %mul3A_472 : i32
        %dma_start3A_474 = arith.constant 1 : i32
        %dma_start3A_475 = arith.constant 0 : i32
        %dma_start3A_476 = arith.constant 0 : i32
        %dma_start3A_477 = tpu.memref_slice %arg6[%dma_start3A_474, %dma_start3A_475, %dma_start3A_476] : memref<8x16x768xf32, #tpu.memory_space<vmem>> -> memref<1x16x768xf32, #tpu.memory_space<vmem>>
        %dma_start3A_478 = tpu.memref_squeeze %dma_start3A_477 : memref<1x16x768xf32, #tpu.memory_space<vmem>> -> memref<16x768xf32, #tpu.memory_space<vmem>>
        %dma_start3A_479 = tpu.memref_slice %arg5[%mul3A_473] : memref<1024xi32, #tpu.memory_space<vmem>> -> memref<16xi32, #tpu.memory_space<vmem>>
        %dma_start3A_480 = arith.constant 0 : i32
        %dma_start3A_481 = arith.constant 0 : i32
        %dma_start3A_482 = tpu.memref_slice %arg2[%dma_start3A_480, %dma_start3A_481] : memref<100000x768xf32, #tpu.memory_space<hbm>> -> memref<100000x768xf32, #tpu.memory_space<hbm>>
        tpu.enqueue_indirect_dma source(%dma_start3A_482 : memref<100000x768xf32, #tpu.memory_space<hbm>>) target(%dma_start3A_478 : memref<16x768xf32, #tpu.memory_space<vmem>>) offsets(%dma_start3A_479 : memref<16xi32, #tpu.memory_space<vmem>>) semaphore(%arg8 : memref<!tpu.dma_semaphore, #tpu.memory_space<semaphore_mem>>)
      } else {
      }
      %mul3A_365 = arith.constant 16 : i32
      %mul3A_366 = arith.muli %add3A_357, %mul3A_365 : i32
      %dma_wait3A_367 = arith.constant 5 : i32
      %dma_wait3A_368 = arith.constant 0 : i32
      %dma_wait3A_369 = arith.constant 0 : i32
      %dma_wait3A_370 = tpu.memref_slice %arg6[%dma_wait3A_367, %dma_wait3A_368, %dma_wait3A_369] : memref<8x16x768xf32, #tpu.memory_space<vmem>> -> memref<1x16x768xf32, #tpu.memory_space<vmem>>
      %dma_wait3A_371 = tpu.memref_squeeze %dma_wait3A_370 : memref<1x16x768xf32, #tpu.memory_space<vmem>> -> memref<16x768xf32, #tpu.memory_space<vmem>>
      %dma_wait3A_372 = tpu.memref_slice %arg5[%mul3A_366] : memref<1024xi32, #tpu.memory_space<vmem>> -> memref<16xi32, #tpu.memory_space<vmem>>
      %dma_wait3A_373 = arith.constant 0 : i32
      %dma_wait3A_374 = arith.constant 0 : i32
      %dma_wait3A_375 = tpu.memref_slice %arg2[%dma_wait3A_373, %dma_wait3A_374] : memref<100000x768xf32, #tpu.memory_space<hbm>> -> memref<100000x768xf32, #tpu.memory_space<hbm>>
      tpu.wait_indirect_dma semaphore(%arg12 : memref<!tpu.dma_semaphore, #tpu.memory_space<semaphore_mem>>) src(%dma_wait3A_375 : memref<100000x768xf32, #tpu.memory_space<hbm>>) dst(%dma_wait3A_371 : memref<16x768xf32, #tpu.memory_space<vmem>>)
      %mul3A_376 = arith.constant 16 : i32
      %mul3A_377 = arith.muli %add3A_357, %mul3A_376 : i32
      %add3A_378 = arith.addi %mul3A_2, %mul3A_377 : i32
      %dma_start3A_379 = arith.constant 5 : i32
      %dma_start3A_380 = arith.constant 0 : i32
      %dma_start3A_381 = arith.constant 0 : i32
      %dma_start3A_382 = tpu.memref_slice %arg6[%dma_start3A_379, %dma_start3A_380, %dma_start3A_381] : memref<8x16x768xf32, #tpu.memory_space<vmem>> -> memref<1x16x768xf32, #tpu.memory_space<vmem>>
      %dma_start3A_383 = tpu.memref_squeeze %dma_start3A_382 : memref<1x16x768xf32, #tpu.memory_space<vmem>> -> memref<16x768xf32, #tpu.memory_space<vmem>>
      %dma_start3A_384 = arith.constant 0 : i32
      %dma_start3A_385 = tpu.memref_slice %arg4[%add3A_378, %dma_start3A_384] : memref<32768x768xf32, #tpu.memory_space<hbm>> -> memref<16x768xf32, #tpu.memory_space<hbm>>
      %dma_start3A_386 = arith.constant 0 : i32
      %dma_start3A_387 = tpu.memref_slice %arg4[%add3A_378, %dma_start3A_386] : memref<32768x768xf32, #tpu.memory_space<hbm>> -> memref<16x768xf32, #tpu.memory_space<hbm>>
      %dma_start3A_388 = arith.constant 0 : i32
      %dma_start3A_389 = arith.constant 0 : i32
      %dma_start3A_390 = tpu.memref_slice %arg6[%dma_start3A_379, %dma_start3A_388, %dma_start3A_389] : memref<8x16x768xf32, #tpu.memory_space<vmem>> -> memref<1x16x768xf32, #tpu.memory_space<vmem>>
      %dma_start3A_391 = tpu.memref_squeeze %dma_start3A_390 : memref<1x16x768xf32, #tpu.memory_space<vmem>> -> memref<16x768xf32, #tpu.memory_space<vmem>>
      tpu.enqueue_dma source(%dma_start3A_391 : memref<16x768xf32, #tpu.memory_space<vmem>>) target(%dma_start3A_387 : memref<16x768xf32, #tpu.memory_space<hbm>>) target_semaphore(%arg20 : memref<!tpu.dma_semaphore, #tpu.memory_space<semaphore_mem>>)
      %mul3A_392 = arith.constant 8 : i32
      %mul3A_393 = arith.muli %scan3A_166, %mul3A_392 : i32
      %add3A_394 = arith.constant 6 : i32
      %add3A_395 = arith.addi %mul3A_393, %add3A_394 : i32
      %add3A_396 = arith.constant 4 : i32
      %add3A_397 = arith.addi %add3A_395, %add3A_396 : i32
      %lt3A_398 = arith.constant 64 : i32
      %lt3A_399 = arith.cmpi slt, %add3A_397, %lt3A_398 : i32
      %convert_element_type3A_400 = arith.extui %lt3A_399 : i1 to i32
      %cond3A_401 = arith.constant 0 : i32
      %cond3A_402 = arith.cmpi ne, %convert_element_type3A_400, %cond3A_401 : i32
      scf.if %cond3A_402 {
        %ge3A = arith.constant 8 : i32
        %ge3A_468 = arith.cmpi sge, %add3A_397, %ge3A : i32
        %convert_element_type3A_469 = arith.extui %ge3A_468 : i1 to i32
        %cond3A_470 = arith.constant 0 : i32
        %cond3A_471 = arith.cmpi ne, %convert_element_type3A_469, %cond3A_470 : i32
        scf.if %cond3A_471 {
          %sub3A = arith.constant 8 : i32
          %sub3A_483 = arith.subi %add3A_397, %sub3A : i32
          %mul3A_484 = arith.constant 16 : i32
          %mul3A_485 = arith.muli %sub3A_483, %mul3A_484 : i32
          %add3A_486 = arith.addi %mul3A_2, %mul3A_485 : i32
          %dma_wait3A_487 = arith.constant 2 : i32
          %dma_wait3A_488 = arith.constant 0 : i32
          %dma_wait3A_489 = arith.constant 0 : i32
          %dma_wait3A_490 = tpu.memref_slice %arg6[%dma_wait3A_487, %dma_wait3A_488, %dma_wait3A_489] : memref<8x16x768xf32, #tpu.memory_space<vmem>> -> memref<1x16x768xf32, #tpu.memory_space<vmem>>
          %dma_wait3A_491 = tpu.memref_squeeze %dma_wait3A_490 : memref<1x16x768xf32, #tpu.memory_space<vmem>> -> memref<16x768xf32, #tpu.memory_space<vmem>>
          %dma_wait3A_492 = arith.constant 0 : i32
          %dma_wait3A_493 = tpu.memref_slice %arg4[%add3A_486, %dma_wait3A_492] : memref<32768x768xf32, #tpu.memory_space<hbm>> -> memref<16x768xf32, #tpu.memory_space<hbm>>
          %dma_wait3A_494 = arith.constant 0 : i32
          %dma_wait3A_495 = tpu.memref_slice %arg4[%add3A_486, %dma_wait3A_494] : memref<32768x768xf32, #tpu.memory_space<hbm>> -> memref<16x768xf32, #tpu.memory_space<hbm>>
          %dma_wait3A_496 = arith.constant 0 : i32
          %dma_wait3A_497 = arith.constant 0 : i32
          %dma_wait3A_498 = tpu.memref_slice %arg6[%dma_wait3A_487, %dma_wait3A_496, %dma_wait3A_497] : memref<8x16x768xf32, #tpu.memory_space<vmem>> -> memref<1x16x768xf32, #tpu.memory_space<vmem>>
          %dma_wait3A_499 = tpu.memref_squeeze %dma_wait3A_498 : memref<1x16x768xf32, #tpu.memory_space<vmem>> -> memref<16x768xf32, #tpu.memory_space<vmem>>
          tpu.wait_dma2 semaphore(%arg17 : memref<!tpu.dma_semaphore, #tpu.memory_space<semaphore_mem>>) src(%dma_wait3A_499 : memref<16x768xf32, #tpu.memory_space<vmem>>) dst(%dma_wait3A_495 : memref<16x768xf32, #tpu.memory_space<hbm>>)
        } else {
        }
        %mul3A_472 = arith.constant 16 : i32
        %mul3A_473 = arith.muli %add3A_397, %mul3A_472 : i32
        %dma_start3A_474 = arith.constant 2 : i32
        %dma_start3A_475 = arith.constant 0 : i32
        %dma_start3A_476 = arith.constant 0 : i32
        %dma_start3A_477 = tpu.memref_slice %arg6[%dma_start3A_474, %dma_start3A_475, %dma_start3A_476] : memref<8x16x768xf32, #tpu.memory_space<vmem>> -> memref<1x16x768xf32, #tpu.memory_space<vmem>>
        %dma_start3A_478 = tpu.memref_squeeze %dma_start3A_477 : memref<1x16x768xf32, #tpu.memory_space<vmem>> -> memref<16x768xf32, #tpu.memory_space<vmem>>
        %dma_start3A_479 = tpu.memref_slice %arg5[%mul3A_473] : memref<1024xi32, #tpu.memory_space<vmem>> -> memref<16xi32, #tpu.memory_space<vmem>>
        %dma_start3A_480 = arith.constant 0 : i32
        %dma_start3A_481 = arith.constant 0 : i32
        %dma_start3A_482 = tpu.memref_slice %arg2[%dma_start3A_480, %dma_start3A_481] : memref<100000x768xf32, #tpu.memory_space<hbm>> -> memref<100000x768xf32, #tpu.memory_space<hbm>>
        tpu.enqueue_indirect_dma source(%dma_start3A_482 : memref<100000x768xf32, #tpu.memory_space<hbm>>) target(%dma_start3A_478 : memref<16x768xf32, #tpu.memory_space<vmem>>) offsets(%dma_start3A_479 : memref<16xi32, #tpu.memory_space<vmem>>) semaphore(%arg9 : memref<!tpu.dma_semaphore, #tpu.memory_space<semaphore_mem>>)
      } else {
      }
      %mul3A_403 = arith.constant 16 : i32
      %mul3A_404 = arith.muli %add3A_395, %mul3A_403 : i32
      %dma_wait3A_405 = arith.constant 6 : i32
      %dma_wait3A_406 = arith.constant 0 : i32
      %dma_wait3A_407 = arith.constant 0 : i32
      %dma_wait3A_408 = tpu.memref_slice %arg6[%dma_wait3A_405, %dma_wait3A_406, %dma_wait3A_407] : memref<8x16x768xf32, #tpu.memory_space<vmem>> -> memref<1x16x768xf32, #tpu.memory_space<vmem>>
      %dma_wait3A_409 = tpu.memref_squeeze %dma_wait3A_408 : memref<1x16x768xf32, #tpu.memory_space<vmem>> -> memref<16x768xf32, #tpu.memory_space<vmem>>
      %dma_wait3A_410 = tpu.memref_slice %arg5[%mul3A_404] : memref<1024xi32, #tpu.memory_space<vmem>> -> memref<16xi32, #tpu.memory_space<vmem>>
      %dma_wait3A_411 = arith.constant 0 : i32
      %dma_wait3A_412 = arith.constant 0 : i32
      %dma_wait3A_413 = tpu.memref_slice %arg2[%dma_wait3A_411, %dma_wait3A_412] : memref<100000x768xf32, #tpu.memory_space<hbm>> -> memref<100000x768xf32, #tpu.memory_space<hbm>>
      tpu.wait_indirect_dma semaphore(%arg13 : memref<!tpu.dma_semaphore, #tpu.memory_space<semaphore_mem>>) src(%dma_wait3A_413 : memref<100000x768xf32, #tpu.memory_space<hbm>>) dst(%dma_wait3A_409 : memref<16x768xf32, #tpu.memory_space<vmem>>)
      %mul3A_414 = arith.constant 16 : i32
      %mul3A_415 = arith.muli %add3A_395, %mul3A_414 : i32
      %add3A_416 = arith.addi %mul3A_2, %mul3A_415 : i32
      %dma_start3A_417 = arith.constant 6 : i32
      %dma_start3A_418 = arith.constant 0 : i32
      %dma_start3A_419 = arith.constant 0 : i32
      %dma_start3A_420 = tpu.memref_slice %arg6[%dma_start3A_417, %dma_start3A_418, %dma_start3A_419] : memref<8x16x768xf32, #tpu.memory_space<vmem>> -> memref<1x16x768xf32, #tpu.memory_space<vmem>>
      %dma_start3A_421 = tpu.memref_squeeze %dma_start3A_420 : memref<1x16x768xf32, #tpu.memory_space<vmem>> -> memref<16x768xf32, #tpu.memory_space<vmem>>
      %dma_start3A_422 = arith.constant 0 : i32
      %dma_start3A_423 = tpu.memref_slice %arg4[%add3A_416, %dma_start3A_422] : memref<32768x768xf32, #tpu.memory_space<hbm>> -> memref<16x768xf32, #tpu.memory_space<hbm>>
      %dma_start3A_424 = arith.constant 0 : i32
      %dma_start3A_425 = tpu.memref_slice %arg4[%add3A_416, %dma_start3A_424] : memref<32768x768xf32, #tpu.memory_space<hbm>> -> memref<16x768xf32, #tpu.memory_space<hbm>>
      %dma_start3A_426 = arith.constant 0 : i32
      %dma_start3A_427 = arith.constant 0 : i32
      %dma_start3A_428 = tpu.memref_slice %arg6[%dma_start3A_417, %dma_start3A_426, %dma_start3A_427] : memref<8x16x768xf32, #tpu.memory_space<vmem>> -> memref<1x16x768xf32, #tpu.memory_space<vmem>>
      %dma_start3A_429 = tpu.memref_squeeze %dma_start3A_428 : memref<1x16x768xf32, #tpu.memory_space<vmem>> -> memref<16x768xf32, #tpu.memory_space<vmem>>
      tpu.enqueue_dma source(%dma_start3A_429 : memref<16x768xf32, #tpu.memory_space<vmem>>) target(%dma_start3A_425 : memref<16x768xf32, #tpu.memory_space<hbm>>) target_semaphore(%arg21 : memref<!tpu.dma_semaphore, #tpu.memory_space<semaphore_mem>>)
      %mul3A_430 = arith.constant 8 : i32
      %mul3A_431 = arith.muli %scan3A_166, %mul3A_430 : i32
      %add3A_432 = arith.constant 7 : i32
      %add3A_433 = arith.addi %mul3A_431, %add3A_432 : i32
      %add3A_434 = arith.constant 4 : i32
      %add3A_435 = arith.addi %add3A_433, %add3A_434 : i32
      %lt3A_436 = arith.constant 64 : i32
      %lt3A_437 = arith.cmpi slt, %add3A_435, %lt3A_436 : i32
      %convert_element_type3A_438 = arith.extui %lt3A_437 : i1 to i32
      %cond3A_439 = arith.constant 0 : i32
      %cond3A_440 = arith.cmpi ne, %convert_element_type3A_438, %cond3A_439 : i32
      scf.if %cond3A_440 {
        %ge3A = arith.constant 8 : i32
        %ge3A_468 = arith.cmpi sge, %add3A_435, %ge3A : i32
        %convert_element_type3A_469 = arith.extui %ge3A_468 : i1 to i32
        %cond3A_470 = arith.constant 0 : i32
        %cond3A_471 = arith.cmpi ne, %convert_element_type3A_469, %cond3A_470 : i32
        scf.if %cond3A_471 {
          %sub3A = arith.constant 8 : i32
          %sub3A_483 = arith.subi %add3A_435, %sub3A : i32
          %mul3A_484 = arith.constant 16 : i32
          %mul3A_485 = arith.muli %sub3A_483, %mul3A_484 : i32
          %add3A_486 = arith.addi %mul3A_2, %mul3A_485 : i32
          %dma_wait3A_487 = arith.constant 3 : i32
          %dma_wait3A_488 = arith.constant 0 : i32
          %dma_wait3A_489 = arith.constant 0 : i32
          %dma_wait3A_490 = tpu.memref_slice %arg6[%dma_wait3A_487, %dma_wait3A_488, %dma_wait3A_489] : memref<8x16x768xf32, #tpu.memory_space<vmem>> -> memref<1x16x768xf32, #tpu.memory_space<vmem>>
          %dma_wait3A_491 = tpu.memref_squeeze %dma_wait3A_490 : memref<1x16x768xf32, #tpu.memory_space<vmem>> -> memref<16x768xf32, #tpu.memory_space<vmem>>
          %dma_wait3A_492 = arith.constant 0 : i32
          %dma_wait3A_493 = tpu.memref_slice %arg4[%add3A_486, %dma_wait3A_492] : memref<32768x768xf32, #tpu.memory_space<hbm>> -> memref<16x768xf32, #tpu.memory_space<hbm>>
          %dma_wait3A_494 = arith.constant 0 : i32
          %dma_wait3A_495 = tpu.memref_slice %arg4[%add3A_486, %dma_wait3A_494] : memref<32768x768xf32, #tpu.memory_space<hbm>> -> memref<16x768xf32, #tpu.memory_space<hbm>>
          %dma_wait3A_496 = arith.constant 0 : i32
          %dma_wait3A_497 = arith.constant 0 : i32
          %dma_wait3A_498 = tpu.memref_slice %arg6[%dma_wait3A_487, %dma_wait3A_496, %dma_wait3A_497] : memref<8x16x768xf32, #tpu.memory_space<vmem>> -> memref<1x16x768xf32, #tpu.memory_space<vmem>>
          %dma_wait3A_499 = tpu.memref_squeeze %dma_wait3A_498 : memref<1x16x768xf32, #tpu.memory_space<vmem>> -> memref<16x768xf32, #tpu.memory_space<vmem>>
          tpu.wait_dma2 semaphore(%arg18 : memref<!tpu.dma_semaphore, #tpu.memory_space<semaphore_mem>>) src(%dma_wait3A_499 : memref<16x768xf32, #tpu.memory_space<vmem>>) dst(%dma_wait3A_495 : memref<16x768xf32, #tpu.memory_space<hbm>>)
        } else {
        }
        %mul3A_472 = arith.constant 16 : i32
        %mul3A_473 = arith.muli %add3A_435, %mul3A_472 : i32
        %dma_start3A_474 = arith.constant 3 : i32
        %dma_start3A_475 = arith.constant 0 : i32
        %dma_start3A_476 = arith.constant 0 : i32
        %dma_start3A_477 = tpu.memref_slice %arg6[%dma_start3A_474, %dma_start3A_475, %dma_start3A_476] : memref<8x16x768xf32, #tpu.memory_space<vmem>> -> memref<1x16x768xf32, #tpu.memory_space<vmem>>
        %dma_start3A_478 = tpu.memref_squeeze %dma_start3A_477 : memref<1x16x768xf32, #tpu.memory_space<vmem>> -> memref<16x768xf32, #tpu.memory_space<vmem>>
        %dma_start3A_479 = tpu.memref_slice %arg5[%mul3A_473] : memref<1024xi32, #tpu.memory_space<vmem>> -> memref<16xi32, #tpu.memory_space<vmem>>
        %dma_start3A_480 = arith.constant 0 : i32
        %dma_start3A_481 = arith.constant 0 : i32
        %dma_start3A_482 = tpu.memref_slice %arg2[%dma_start3A_480, %dma_start3A_481] : memref<100000x768xf32, #tpu.memory_space<hbm>> -> memref<100000x768xf32, #tpu.memory_space<hbm>>
        tpu.enqueue_indirect_dma source(%dma_start3A_482 : memref<100000x768xf32, #tpu.memory_space<hbm>>) target(%dma_start3A_478 : memref<16x768xf32, #tpu.memory_space<vmem>>) offsets(%dma_start3A_479 : memref<16xi32, #tpu.memory_space<vmem>>) semaphore(%arg10 : memref<!tpu.dma_semaphore, #tpu.memory_space<semaphore_mem>>)
      } else {
      }
      %mul3A_441 = arith.constant 16 : i32
      %mul3A_442 = arith.muli %add3A_433, %mul3A_441 : i32
      %dma_wait3A_443 = arith.constant 7 : i32
      %dma_wait3A_444 = arith.constant 0 : i32
      %dma_wait3A_445 = arith.constant 0 : i32
      %dma_wait3A_446 = tpu.memref_slice %arg6[%dma_wait3A_443, %dma_wait3A_444, %dma_wait3A_445] : memref<8x16x768xf32, #tpu.memory_space<vmem>> -> memref<1x16x768xf32, #tpu.memory_space<vmem>>
      %dma_wait3A_447 = tpu.memref_squeeze %dma_wait3A_446 : memref<1x16x768xf32, #tpu.memory_space<vmem>> -> memref<16x768xf32, #tpu.memory_space<vmem>>
      %dma_wait3A_448 = tpu.memref_slice %arg5[%mul3A_442] : memref<1024xi32, #tpu.memory_space<vmem>> -> memref<16xi32, #tpu.memory_space<vmem>>
      %dma_wait3A_449 = arith.constant 0 : i32
      %dma_wait3A_450 = arith.constant 0 : i32
      %dma_wait3A_451 = tpu.memref_slice %arg2[%dma_wait3A_449, %dma_wait3A_450] : memref<100000x768xf32, #tpu.memory_space<hbm>> -> memref<100000x768xf32, #tpu.memory_space<hbm>>
      tpu.wait_indirect_dma semaphore(%arg14 : memref<!tpu.dma_semaphore, #tpu.memory_space<semaphore_mem>>) src(%dma_wait3A_451 : memref<100000x768xf32, #tpu.memory_space<hbm>>) dst(%dma_wait3A_447 : memref<16x768xf32, #tpu.memory_space<vmem>>)
      %mul3A_452 = arith.constant 16 : i32
      %mul3A_453 = arith.muli %add3A_433, %mul3A_452 : i32
      %add3A_454 = arith.addi %mul3A_2, %mul3A_453 : i32
      %dma_start3A_455 = arith.constant 7 : i32
      %dma_start3A_456 = arith.constant 0 : i32
      %dma_start3A_457 = arith.constant 0 : i32
      %dma_start3A_458 = tpu.memref_slice %arg6[%dma_start3A_455, %dma_start3A_456, %dma_start3A_457] : memref<8x16x768xf32, #tpu.memory_space<vmem>> -> memref<1x16x768xf32, #tpu.memory_space<vmem>>
      %dma_start3A_459 = tpu.memref_squeeze %dma_start3A_458 : memref<1x16x768xf32, #tpu.memory_space<vmem>> -> memref<16x768xf32, #tpu.memory_space<vmem>>
      %dma_start3A_460 = arith.constant 0 : i32
      %dma_start3A_461 = tpu.memref_slice %arg4[%add3A_454, %dma_start3A_460] : memref<32768x768xf32, #tpu.memory_space<hbm>> -> memref<16x768xf32, #tpu.memory_space<hbm>>
      %dma_start3A_462 = arith.constant 0 : i32
      %dma_start3A_463 = tpu.memref_slice %arg4[%add3A_454, %dma_start3A_462] : memref<32768x768xf32, #tpu.memory_space<hbm>> -> memref<16x768xf32, #tpu.memory_space<hbm>>
      %dma_start3A_464 = arith.constant 0 : i32
      %dma_start3A_465 = arith.constant 0 : i32
      %dma_start3A_466 = tpu.memref_slice %arg6[%dma_start3A_455, %dma_start3A_464, %dma_start3A_465] : memref<8x16x768xf32, #tpu.memory_space<vmem>> -> memref<1x16x768xf32, #tpu.memory_space<vmem>>
      %dma_start3A_467 = tpu.memref_squeeze %dma_start3A_466 : memref<1x16x768xf32, #tpu.memory_space<vmem>> -> memref<16x768xf32, #tpu.memory_space<vmem>>
      tpu.enqueue_dma source(%dma_start3A_467 : memref<16x768xf32, #tpu.memory_space<vmem>>) target(%dma_start3A_463 : memref<16x768xf32, #tpu.memory_space<hbm>>) target_semaphore(%arg22 : memref<!tpu.dma_semaphore, #tpu.memory_space<semaphore_mem>>)
    }
    %scan3A_46 = arith.constant 8 : i32
    %add3A_47 = arith.constant 896 : i32
    %add3A_48 = arith.addi %mul3A_2, %add3A_47 : i32
    %dma_wait3A = arith.constant 0 : i32
    %dma_wait3A_49 = arith.constant 0 : i32
    %dma_wait3A_50 = arith.constant 0 : i32
    %dma_wait3A_51 = tpu.memref_slice %arg6[%dma_wait3A, %dma_wait3A_49, %dma_wait3A_50] : memref<8x16x768xf32, #tpu.memory_space<vmem>> -> memref<1x16x768xf32, #tpu.memory_space<vmem>>
    %dma_wait3A_52 = tpu.memref_squeeze %dma_wait3A_51 : memref<1x16x768xf32, #tpu.memory_space<vmem>> -> memref<16x768xf32, #tpu.memory_space<vmem>>
    %dma_wait3A_53 = arith.constant 0 : i32
    %dma_wait3A_54 = tpu.memref_slice %arg4[%add3A_48, %dma_wait3A_53] : memref<32768x768xf32, #tpu.memory_space<hbm>> -> memref<16x768xf32, #tpu.memory_space<hbm>>
    %dma_wait3A_55 = arith.constant 0 : i32
    %dma_wait3A_56 = tpu.memref_slice %arg4[%add3A_48, %dma_wait3A_55] : memref<32768x768xf32, #tpu.memory_space<hbm>> -> memref<16x768xf32, #tpu.memory_space<hbm>>
    %dma_wait3A_57 = arith.constant 0 : i32
    %dma_wait3A_58 = arith.constant 0 : i32
    %dma_wait3A_59 = tpu.memref_slice %arg6[%dma_wait3A, %dma_wait3A_57, %dma_wait3A_58] : memref<8x16x768xf32, #tpu.memory_space<vmem>> -> memref<1x16x768xf32, #tpu.memory_space<vmem>>
    %dma_wait3A_60 = tpu.memref_squeeze %dma_wait3A_59 : memref<1x16x768xf32, #tpu.memory_space<vmem>> -> memref<16x768xf32, #tpu.memory_space<vmem>>
    tpu.wait_dma2 semaphore(%arg15 : memref<!tpu.dma_semaphore, #tpu.memory_space<semaphore_mem>>) src(%dma_wait3A_60 : memref<16x768xf32, #tpu.memory_space<vmem>>) dst(%dma_wait3A_56 : memref<16x768xf32, #tpu.memory_space<hbm>>)
    %add3A_61 = arith.constant 912 : i32
    %add3A_62 = arith.addi %mul3A_2, %add3A_61 : i32
    %dma_wait3A_63 = arith.constant 1 : i32
    %dma_wait3A_64 = arith.constant 0 : i32
    %dma_wait3A_65 = arith.constant 0 : i32
    %dma_wait3A_66 = tpu.memref_slice %arg6[%dma_wait3A_63, %dma_wait3A_64, %dma_wait3A_65] : memref<8x16x768xf32, #tpu.memory_space<vmem>> -> memref<1x16x768xf32, #tpu.memory_space<vmem>>
    %dma_wait3A_67 = tpu.memref_squeeze %dma_wait3A_66 : memref<1x16x768xf32, #tpu.memory_space<vmem>> -> memref<16x768xf32, #tpu.memory_space<vmem>>
    %dma_wait3A_68 = arith.constant 0 : i32
    %dma_wait3A_69 = tpu.memref_slice %arg4[%add3A_62, %dma_wait3A_68] : memref<32768x768xf32, #tpu.memory_space<hbm>> -> memref<16x768xf32, #tpu.memory_space<hbm>>
    %dma_wait3A_70 = arith.constant 0 : i32
    %dma_wait3A_71 = tpu.memref_slice %arg4[%add3A_62, %dma_wait3A_70] : memref<32768x768xf32, #tpu.memory_space<hbm>> -> memref<16x768xf32, #tpu.memory_space<hbm>>
    %dma_wait3A_72 = arith.constant 0 : i32
    %dma_wait3A_73 = arith.constant 0 : i32
    %dma_wait3A_74 = tpu.memref_slice %arg6[%dma_wait3A_63, %dma_wait3A_72, %dma_wait3A_73] : memref<8x16x768xf32, #tpu.memory_space<vmem>> -> memref<1x16x768xf32, #tpu.memory_space<vmem>>
    %dma_wait3A_75 = tpu.memref_squeeze %dma_wait3A_74 : memref<1x16x768xf32, #tpu.memory_space<vmem>> -> memref<16x768xf32, #tpu.memory_space<vmem>>
    tpu.wait_dma2 semaphore(%arg16 : memref<!tpu.dma_semaphore, #tpu.memory_space<semaphore_mem>>) src(%dma_wait3A_75 : memref<16x768xf32, #tpu.memory_space<vmem>>) dst(%dma_wait3A_71 : memref<16x768xf32, #tpu.memory_space<hbm>>)
    %add3A_76 = arith.constant 928 : i32
    %add3A_77 = arith.addi %mul3A_2, %add3A_76 : i32
    %dma_wait3A_78 = arith.constant 2 : i32
    %dma_wait3A_79 = arith.constant 0 : i32
    %dma_wait3A_80 = arith.constant 0 : i32
    %dma_wait3A_81 = tpu.memref_slice %arg6[%dma_wait3A_78, %dma_wait3A_79, %dma_wait3A_80] : memref<8x16x768xf32, #tpu.memory_space<vmem>> -> memref<1x16x768xf32, #tpu.memory_space<vmem>>
    %dma_wait3A_82 = tpu.memref_squeeze %dma_wait3A_81 : memref<1x16x768xf32, #tpu.memory_space<vmem>> -> memref<16x768xf32, #tpu.memory_space<vmem>>
    %dma_wait3A_83 = arith.constant 0 : i32
    %dma_wait3A_84 = tpu.memref_slice %arg4[%add3A_77, %dma_wait3A_83] : memref<32768x768xf32, #tpu.memory_space<hbm>> -> memref<16x768xf32, #tpu.memory_space<hbm>>
    %dma_wait3A_85 = arith.constant 0 : i32
    %dma_wait3A_86 = tpu.memref_slice %arg4[%add3A_77, %dma_wait3A_85] : memref<32768x768xf32, #tpu.memory_space<hbm>> -> memref<16x768xf32, #tpu.memory_space<hbm>>
    %dma_wait3A_87 = arith.constant 0 : i32
    %dma_wait3A_88 = arith.constant 0 : i32
    %dma_wait3A_89 = tpu.memref_slice %arg6[%dma_wait3A_78, %dma_wait3A_87, %dma_wait3A_88] : memref<8x16x768xf32, #tpu.memory_space<vmem>> -> memref<1x16x768xf32, #tpu.memory_space<vmem>>
    %dma_wait3A_90 = tpu.memref_squeeze %dma_wait3A_89 : memref<1x16x768xf32, #tpu.memory_space<vmem>> -> memref<16x768xf32, #tpu.memory_space<vmem>>
    tpu.wait_dma2 semaphore(%arg17 : memref<!tpu.dma_semaphore, #tpu.memory_space<semaphore_mem>>) src(%dma_wait3A_90 : memref<16x768xf32, #tpu.memory_space<vmem>>) dst(%dma_wait3A_86 : memref<16x768xf32, #tpu.memory_space<hbm>>)
    %add3A_91 = arith.constant 944 : i32
    %add3A_92 = arith.addi %mul3A_2, %add3A_91 : i32
    %dma_wait3A_93 = arith.constant 3 : i32
    %dma_wait3A_94 = arith.constant 0 : i32
    %dma_wait3A_95 = arith.constant 0 : i32
    %dma_wait3A_96 = tpu.memref_slice %arg6[%dma_wait3A_93, %dma_wait3A_94, %dma_wait3A_95] : memref<8x16x768xf32, #tpu.memory_space<vmem>> -> memref<1x16x768xf32, #tpu.memory_space<vmem>>
    %dma_wait3A_97 = tpu.memref_squeeze %dma_wait3A_96 : memref<1x16x768xf32, #tpu.memory_space<vmem>> -> memref<16x768xf32, #tpu.memory_space<vmem>>
    %dma_wait3A_98 = arith.constant 0 : i32
    %dma_wait3A_99 = tpu.memref_slice %arg4[%add3A_92, %dma_wait3A_98] : memref<32768x768xf32, #tpu.memory_space<hbm>> -> memref<16x768xf32, #tpu.memory_space<hbm>>
    %dma_wait3A_100 = arith.constant 0 : i32
    %dma_wait3A_101 = tpu.memref_slice %arg4[%add3A_92, %dma_wait3A_100] : memref<32768x768xf32, #tpu.memory_space<hbm>> -> memref<16x768xf32, #tpu.memory_space<hbm>>
    %dma_wait3A_102 = arith.constant 0 : i32
    %dma_wait3A_103 = arith.constant 0 : i32
    %dma_wait3A_104 = tpu.memref_slice %arg6[%dma_wait3A_93, %dma_wait3A_102, %dma_wait3A_103] : memref<8x16x768xf32, #tpu.memory_space<vmem>> -> memref<1x16x768xf32, #tpu.memory_space<vmem>>
    %dma_wait3A_105 = tpu.memref_squeeze %dma_wait3A_104 : memref<1x16x768xf32, #tpu.memory_space<vmem>> -> memref<16x768xf32, #tpu.memory_space<vmem>>
    tpu.wait_dma2 semaphore(%arg18 : memref<!tpu.dma_semaphore, #tpu.memory_space<semaphore_mem>>) src(%dma_wait3A_105 : memref<16x768xf32, #tpu.memory_space<vmem>>) dst(%dma_wait3A_101 : memref<16x768xf32, #tpu.memory_space<hbm>>)
    %add3A_106 = arith.constant 960 : i32
    %add3A_107 = arith.addi %mul3A_2, %add3A_106 : i32
    %dma_wait3A_108 = arith.constant 4 : i32
    %dma_wait3A_109 = arith.constant 0 : i32
    %dma_wait3A_110 = arith.constant 0 : i32
    %dma_wait3A_111 = tpu.memref_slice %arg6[%dma_wait3A_108, %dma_wait3A_109, %dma_wait3A_110] : memref<8x16x768xf32, #tpu.memory_space<vmem>> -> memref<1x16x768xf32, #tpu.memory_space<vmem>>
    %dma_wait3A_112 = tpu.memref_squeeze %dma_wait3A_111 : memref<1x16x768xf32, #tpu.memory_space<vmem>> -> memref<16x768xf32, #tpu.memory_space<vmem>>
    %dma_wait3A_113 = arith.constant 0 : i32
    %dma_wait3A_114 = tpu.memref_slice %arg4[%add3A_107, %dma_wait3A_113] : memref<32768x768xf32, #tpu.memory_space<hbm>> -> memref<16x768xf32, #tpu.memory_space<hbm>>
    %dma_wait3A_115 = arith.constant 0 : i32
    %dma_wait3A_116 = tpu.memref_slice %arg4[%add3A_107, %dma_wait3A_115] : memref<32768x768xf32, #tpu.memory_space<hbm>> -> memref<16x768xf32, #tpu.memory_space<hbm>>
    %dma_wait3A_117 = arith.constant 0 : i32
    %dma_wait3A_118 = arith.constant 0 : i32
    %dma_wait3A_119 = tpu.memref_slice %arg6[%dma_wait3A_108, %dma_wait3A_117, %dma_wait3A_118] : memref<8x16x768xf32, #tpu.memory_space<vmem>> -> memref<1x16x768xf32, #tpu.memory_space<vmem>>
    %dma_wait3A_120 = tpu.memref_squeeze %dma_wait3A_119 : memref<1x16x768xf32, #tpu.memory_space<vmem>> -> memref<16x768xf32, #tpu.memory_space<vmem>>
    tpu.wait_dma2 semaphore(%arg19 : memref<!tpu.dma_semaphore, #tpu.memory_space<semaphore_mem>>) src(%dma_wait3A_120 : memref<16x768xf32, #tpu.memory_space<vmem>>) dst(%dma_wait3A_116 : memref<16x768xf32, #tpu.memory_space<hbm>>)
    %add3A_121 = arith.constant 976 : i32
    %add3A_122 = arith.addi %mul3A_2, %add3A_121 : i32
    %dma_wait3A_123 = arith.constant 5 : i32
    %dma_wait3A_124 = arith.constant 0 : i32
    %dma_wait3A_125 = arith.constant 0 : i32
    %dma_wait3A_126 = tpu.memref_slice %arg6[%dma_wait3A_123, %dma_wait3A_124, %dma_wait3A_125] : memref<8x16x768xf32, #tpu.memory_space<vmem>> -> memref<1x16x768xf32, #tpu.memory_space<vmem>>
    %dma_wait3A_127 = tpu.memref_squeeze %dma_wait3A_126 : memref<1x16x768xf32, #tpu.memory_space<vmem>> -> memref<16x768xf32, #tpu.memory_space<vmem>>
    %dma_wait3A_128 = arith.constant 0 : i32
    %dma_wait3A_129 = tpu.memref_slice %arg4[%add3A_122, %dma_wait3A_128] : memref<32768x768xf32, #tpu.memory_space<hbm>> -> memref<16x768xf32, #tpu.memory_space<hbm>>
    %dma_wait3A_130 = arith.constant 0 : i32
    %dma_wait3A_131 = tpu.memref_slice %arg4[%add3A_122, %dma_wait3A_130] : memref<32768x768xf32, #tpu.memory_space<hbm>> -> memref<16x768xf32, #tpu.memory_space<hbm>>
    %dma_wait3A_132 = arith.constant 0 : i32
    %dma_wait3A_133 = arith.constant 0 : i32
    %dma_wait3A_134 = tpu.memref_slice %arg6[%dma_wait3A_123, %dma_wait3A_132, %dma_wait3A_133] : memref<8x16x768xf32, #tpu.memory_space<vmem>> -> memref<1x16x768xf32, #tpu.memory_space<vmem>>
    %dma_wait3A_135 = tpu.memref_squeeze %dma_wait3A_134 : memref<1x16x768xf32, #tpu.memory_space<vmem>> -> memref<16x768xf32, #tpu.memory_space<vmem>>
    tpu.wait_dma2 semaphore(%arg20 : memref<!tpu.dma_semaphore, #tpu.memory_space<semaphore_mem>>) src(%dma_wait3A_135 : memref<16x768xf32, #tpu.memory_space<vmem>>) dst(%dma_wait3A_131 : memref<16x768xf32, #tpu.memory_space<hbm>>)
    %add3A_136 = arith.constant 992 : i32
    %add3A_137 = arith.addi %mul3A_2, %add3A_136 : i32
    %dma_wait3A_138 = arith.constant 6 : i32
    %dma_wait3A_139 = arith.constant 0 : i32
    %dma_wait3A_140 = arith.constant 0 : i32
    %dma_wait3A_141 = tpu.memref_slice %arg6[%dma_wait3A_138, %dma_wait3A_139, %dma_wait3A_140] : memref<8x16x768xf32, #tpu.memory_space<vmem>> -> memref<1x16x768xf32, #tpu.memory_space<vmem>>
    %dma_wait3A_142 = tpu.memref_squeeze %dma_wait3A_141 : memref<1x16x768xf32, #tpu.memory_space<vmem>> -> memref<16x768xf32, #tpu.memory_space<vmem>>
    %dma_wait3A_143 = arith.constant 0 : i32
    %dma_wait3A_144 = tpu.memref_slice %arg4[%add3A_137, %dma_wait3A_143] : memref<32768x768xf32, #tpu.memory_space<hbm>> -> memref<16x768xf32, #tpu.memory_space<hbm>>
    %dma_wait3A_145 = arith.constant 0 : i32
    %dma_wait3A_146 = tpu.memref_slice %arg4[%add3A_137, %dma_wait3A_145] : memref<32768x768xf32, #tpu.memory_space<hbm>> -> memref<16x768xf32, #tpu.memory_space<hbm>>
    %dma_wait3A_147 = arith.constant 0 : i32
    %dma_wait3A_148 = arith.constant 0 : i32
    %dma_wait3A_149 = tpu.memref_slice %arg6[%dma_wait3A_138, %dma_wait3A_147, %dma_wait3A_148] : memref<8x16x768xf32, #tpu.memory_space<vmem>> -> memref<1x16x768xf32, #tpu.memory_space<vmem>>
    %dma_wait3A_150 = tpu.memref_squeeze %dma_wait3A_149 : memref<1x16x768xf32, #tpu.memory_space<vmem>> -> memref<16x768xf32, #tpu.memory_space<vmem>>
    tpu.wait_dma2 semaphore(%arg21 : memref<!tpu.dma_semaphore, #tpu.memory_space<semaphore_mem>>) src(%dma_wait3A_150 : memref<16x768xf32, #tpu.memory_space<vmem>>) dst(%dma_wait3A_146 : memref<16x768xf32, #tpu.memory_space<hbm>>)
    %add3A_151 = arith.constant 1008 : i32
    %add3A_152 = arith.addi %mul3A_2, %add3A_151 : i32
    %dma_wait3A_153 = arith.constant 7 : i32
    %dma_wait3A_154 = arith.constant 0 : i32
    %dma_wait3A_155 = arith.constant 0 : i32
    %dma_wait3A_156 = tpu.memref_slice %arg6[%dma_wait3A_153, %dma_wait3A_154, %dma_wait3A_155] : memref<8x16x768xf32, #tpu.memory_space<vmem>> -> memref<1x16x768xf32, #tpu.memory_space<vmem>>
    %dma_wait3A_157 = tpu.memref_squeeze %dma_wait3A_156 : memref<1x16x768xf32, #tpu.memory_space<vmem>> -> memref<16x768xf32, #tpu.memory_space<vmem>>
    %dma_wait3A_158 = arith.constant 0 : i32
    %dma_wait3A_159 = tpu.memref_slice %arg4[%add3A_152, %dma_wait3A_158] : memref<32768x768xf32, #tpu.memory_space<hbm>> -> memref<16x768xf32, #tpu.memory_space<hbm>>
    %dma_wait3A_160 = arith.constant 0 : i32
    %dma_wait3A_161 = tpu.memref_slice %arg4[%add3A_152, %dma_wait3A_160] : memref<32768x768xf32, #tpu.memory_space<hbm>> -> memref<16x768xf32, #tpu.memory_space<hbm>>
    %dma_wait3A_162 = arith.constant 0 : i32
    %dma_wait3A_163 = arith.constant 0 : i32
    %dma_wait3A_164 = tpu.memref_slice %arg6[%dma_wait3A_153, %dma_wait3A_162, %dma_wait3A_163] : memref<8x16x768xf32, #tpu.memory_space<vmem>> -> memref<1x16x768xf32, #tpu.memory_space<vmem>>
    %dma_wait3A_165 = tpu.memref_squeeze %dma_wait3A_164 : memref<1x16x768xf32, #tpu.memory_space<vmem>> -> memref<16x768xf32, #tpu.memory_space<vmem>>
    tpu.wait_dma2 semaphore(%arg22 : memref<!tpu.dma_semaphore, #tpu.memory_space<semaphore_mem>>) src(%dma_wait3A_165 : memref<16x768xf32, #tpu.memory_space<vmem>>) dst(%dma_wait3A_161 : memref<16x768xf32, #tpu.memory_space<hbm>>)
    return
  }
}

</mosaic_0001>

<sc_bundles>
// kernel: kernel.3.cloned.1.call-start
scs
__scs_entry_jumppad:
0x0: {  	(pc) =	sbr.rel $0x88, $3  }
0x1: {  	(tag) =	ssettag $0x0;
	lr =	simm.s32 $0x1  }
0x2: {  	[smem:$0x3F9F] =	sst lr;
	_ =	strace $0xD0000000  }
0x3: {  	_ = 	snop  }
0x4: {  	_ = 	snop  }
0x5: {  	_ = 	snop  }
0x6: {  	_ = 	snop  }
0x7: {  	_ = 	snop  }
__scs_overlays_trampoline_lowered:
0x8: {  	[smem:$0x3FAE] =	sst s0  }
0x9: {  	[smem:$0x3FAF] =	sst s1  }
0xa: {  	[smem:$0x3FB0] =	sst s2  }
0xb: {  	[smem:$0x3FB1] =	sst s3  }
0xc: {  	[smem:$0x3FB2] =	sst s4  }
0xd: {  	[smem:$0x3FB3] =	sst s5  }
0xe: {  	[smem:$0x3FB4] =	sst s6  }
0xf: {  	[smem:$0x3FB5] =	sst s7  }
0x10: {  	[smem:$0x3FB6] =	sst s8  }
0x11: {  	[smem:$0x3FB7] =	sst s9;
	s0 =	simm.s32 @!p0 $0x0  }
0x12: {  	s1 =	sld [smem:$0x3F9D];
	s0 =	simm.s32 @p0 $0x1  }
0x13: {  	[smem:$0x3FB8] =	sst s0;
	s0 =	simm.s32 @!p1 $0x0  }
0x14: {  	s2 =	sld [smem:$0x3F9C];
	s0 =	simm.s32 @p1 $0x1  }
0x15: {  	[smem:$0x3FB9] =	sst s0;
	s0 =	simm.s32 @!p2 $0x0  }
0x16: {  	s3 =	sld [smem:$0x3FDB];
	s0 =	simm.s32 @p2 $0x1  }
0x17: {  	s4 =	simm.s32 $0x1BF5;
	[smem:$0x3FBB] =	sst s0  }
0x18: {  	s0 =	sld [smem:$0x3F9E];
	_ =	swait.ge [sflag:s4], $0x0  }
0x19: {  	s7 =	sld [smem:$0x3F9F]  }
0x1a: {  	s8 =	sadd.s32 $0xFFFFE003, lr  }
0x1b: {  	s9 =	sadd.s32 $0xFFFFFEF7, lr;
	s5 =	simm.s32 $0xFFFFFFFF;
	p2 =	slt.u32 s8, $0xFFFFF086  }
0x1c: {  	p1 =	slt.u32 s9, $0xF7A;
	s5 =	simm.s32 @!p2 $0x0  }
0x1d: {  	s5 =	simm.s32 @p1 $0x1;
	p0 =	seq.s32 s7, s2  }
0x1e: {  	s7 =	smul.u32 @!p0 $0xF7A, s2;
	p2 =	seq.s32 @!p0 s5, $0x0  }
0x1f: {  	s9 =	smul.u32 $0xF7A, s1;
	s8 =	simm.s32 @!p0 $0x1BF5;
	p2 =	por !p2, p0  }
0x20: {  	[sflag:s8] =	ssyncset.s32 @!p0 $0xFFFFF086;
	s6 =	sadd.s32 @!p0 s3, s7;
	s7 =	simm.s32 @!p0 $0x108  }
0x21: {  	s3 =	sadd.s32 s3, s9;
	s6 =	sadd.s32 @!p0 $0x88, s6;
	s7 =	simm.s32 @p2 $0x1082  }
0x22: {  	[simem:s7], [sflag:s8] =	dma.local @!p0 [hbm:s6], $0xF7A  }
0x23: {  	s9 =	sor.u32 $0xD0000000, s2;
	s6 =	simm.s32 $0x108;
	_ =	swait.ge @!p0 [sflag:s8], $0x0  }
0x24: {  	s3 =	sadd.s32 $0x88, s3;
	s6 =	simm.s32 @!p1 $0x1082;
	[sflag:s4] =	ssyncset.s32 $0xFFFFF086  }
0x25: {  	[simem:s6], [sflag:s4] =	dma.local [hbm:s3], $0xF7A  }
0x26: {  	[smem:$0x3F9F] =	sst s1;
	(tag) =	ssettag s2;
	_ =	strace s9  }
0x27: {  	s1 =	sld [smem:$0x3FAF]  }
0x28: {  	s2 =	sld [smem:$0x3FB0]  }
0x29: {  	s4 =	sld [smem:$0x3FB2]  }
0x2a: {  	p0 =	seq.s32 s5, $0x0;
	s5 =	sld [smem:$0x3FB3]  }
0x2b: {  	s6 =	sld [smem:$0x3FB4]  }
0x2c: {  	s7 =	sld [smem:$0x3FB5]  }
0x2d: {  	s3 =	simm.s32 $0x108;
	s8 =	sld [smem:$0x3FB6]  }
0x2e: {  	s3 =	simm.s32 @!p0 $0x1082;
	s9 =	sld [smem:$0x3FB7]  }
0x2f: {  	lr =	sadd.s32 s0, s3;
	s0 =	sld [smem:$0x3FAE]  }
0x30: {  	s3 =	sld [smem:$0x3FB1]  }
0x31: {  	[smem:$0x3FBA] =	sst s10  }
0x32: {  	s10 =	sld [smem:$0x3FB8];
	_ =	sdelay $0x3  }
0x33: {  	p0 =	seq.s32 s10, $0x1;
	s10 =	sld [smem:$0x3FBA];
	_ =	sdelay $0x3  }
0x34: {  	[smem:$0x3FBA] =	sst s10  }
0x35: {  	s10 =	sld [smem:$0x3FB9];
	_ =	sdelay $0x3  }
0x36: {  	p1 =	seq.s32 s10, $0x1;
	s10 =	sld [smem:$0x3FBA];
	_ =	sdelay $0x3  }
0x37: {  	[smem:$0x3FBA] =	sst s10  }
0x38: {  	s10 =	sld [smem:$0x3FBB]  }
0x39: {  	_ = 	snop;
	(pc) =	sbr.ind lr, $3  }
0x3a: {  	_ = 	snop  }
0x3b: {  	_ = 	snop  }
0x3c: {  	p2 =	seq.s32 s10, $0x1;
	s10 =	sld [smem:$0x3FBA]  }
0x3d: {  	_ =	shalt  }
0x3e: {  	_ =	shalt  }
0x3f: {  	_ =	shalt  }
0x40: {  	_ =	shalt  }
0x41: {  	_ =	shalt  }
0x42: {  	_ =	shalt  }
0x43: {  	_ =	shalt  }
0x44: {  	_ =	shalt  }
0x45: {  	_ =	shalt  }
0x46: {  	_ =	shalt  }
0x47: {  	_ =	shalt  }
0x48: {  	_ =	shalt  }
0x49: {  	_ =	shalt  }
0x4a: {  	_ =	shalt  }
0x4b: {  	_ =	shalt  }
0x4c: {  	_ =	shalt  }
0x4d: {  	_ =	shalt  }
0x4e: {  	_ =	shalt  }
0x4f: {  	_ =	shalt  }
0x50: {  	_ =	shalt  }
0x51: {  	_ =	shalt  }
0x52: {  	_ =	shalt  }
0x53: {  	_ =	shalt  }
0x54: {  	_ =	shalt  }
0x55: {  	_ =	shalt  }
0x56: {  	_ =	shalt  }
0x57: {  	_ =	shalt  }
0x58: {  	_ =	shalt  }
0x59: {  	_ =	shalt  }
0x5a: {  	_ =	shalt  }
0x5b: {  	_ =	shalt  }
0x5c: {  	_ =	shalt  }
0x5d: {  	_ =	shalt  }
0x5e: {  	_ =	shalt  }
0x5f: {  	_ =	shalt  }
0x60: {  	_ =	shalt  }
0x61: {  	_ =	shalt  }
0x62: {  	_ =	shalt  }
0x63: {  	_ =	shalt  }
0x64: {  	_ =	shalt  }
0x65: {  	_ =	shalt  }
0x66: {  	_ =	shalt  }
0x67: {  	_ =	shalt  }
0x68: {  	_ =	shalt  }
0x69: {  	_ =	shalt  }
0x6a: {  	_ =	shalt  }
0x6b: {  	_ =	shalt  }
0x6c: {  	_ =	shalt  }
0x6d: {  	_ =	shalt  }
0x6e: {  	_ =	shalt  }
0x6f: {  	_ =	shalt  }
0x70: {  	_ =	shalt  }
0x71: {  	_ =	shalt  }
0x72: {  	_ =	shalt  }
0x73: {  	_ =	shalt  }
0x74: {  	_ =	shalt  }
0x75: {  	_ =	shalt  }
0x76: {  	_ =	shalt  }
0x77: {  	_ =	shalt  }
0x78: {  	_ =	shalt  }
0x79: {  	_ =	shalt  }
0x7a: {  	_ =	shalt  }
0x7b: {  	_ =	shalt  }
0x7c: {  	_ =	shalt  }
0x7d: {  	_ =	shalt  }
0x7e: {  	_ =	shalt  }
0x7f: {  	_ =	shalt  }
0x80: {  	_ =	shalt  }
0x81: {  	_ =	shalt  }
0x82: {  	_ =	shalt  }
0x83: {  	_ =	shalt  }
0x84: {  	_ =	shalt  }
0x85: {  	_ =	shalt  }
0x86: {  	_ =	shalt  }
0x87: {  	_ =	shalt  }
.Lfunc_end0:
.L_simem_size_0:
called_computation_lowered:
.L_overlay_start_0:
0x88: {  	s2 =	sld [smem:$0x3FD9]  }
0x89: {  	s3 =	sld [smem:$0x3FFE];
	_ =	sdelay $0x1  }
0x8a: {  	s1 =	srdreg.scid  }
0x8b: {  	s0 =	sand.u32 $0x1, s1  }
0x8c: {  	s17 =	sshll.u32 s0, $0xA;
	s2 =	sadd.s32 s3, s2  }
0x8d: {  	s2 =	sadd.s32 s2, s17  }
0x8e: {  	[smem:$0x3FC6] =	sst s2  }
0x8f: {  	_ = 	snop  }
0x90: {  	s2 =	sld [smem:$0x3FC8]  }
0x91: {  	s18 =	sld [smem:$0x3FD0];
	(tm) =	ssettm $0x1  }
0x92: {  	s4 =	sld [smem:$0x3FFB];
	_ =	sdelay $0x3  }
0x93: {  	_ =	strace s4  }
0x94: {  	s4 =	sld [smem:$0x3FFC];
	_ =	sdelay $0x3  }
0x95: {  	_ =	strace s4  }
0x96: {  	s4 =	sld [smem:$0x3FFD];
	_ =	sdelay $0x3  }
0x97: {  	_ =	strace s4  }
0x98: {  	_ =	strace $0x8FFFFFFF  }
0x99: {  	s19 =	sld [smem:$0x3FDB];
	_ =	sdelay $0x1  }
0x9a: {  	s5 =	simm.s32 $_scs_section_size  }
0x9b: {  	s6 =	simm.s32 $_size__tile_overlayer_lowered;
	s7 =	simm.s32 $_tile_overlayer_lowered  }
0x9c: {  	s22 =	simm.s32 $0x1BFF;
	s21 =	sshll.u32 s7, $0x1;
	s4 =	sadd.s32 s5, s19  }
0x9d: {  	s8 =	simm.s32 $0x0;
	s20 =	sshll.u32 s6, $0x1;
	s6 =	sadd.s32 s21, s4  }
0x9e: {  	[timem:s8], [sflag:s22] =	dma.local [hbm:s6], s20  }
0x9f: {  	_ =	swait.ge [sflag:s22], s20  }
0xa0: {  	s5 =	ssub.s32 $0x0, s20;
	[sflag:s22] =	ssyncset.done $0x0  }
0xa1: {  	[sflag:s22] =	ssyncadd.s32 s5;
	_ =	sdelay $0x1  }
0xa2: {  	s23 =	simm.s32 $0x1B8B  }
0xa3: {  	_ =	swait.ge [sflag:s23], $0x1  }
0xa4: {  	[sflag:s23] =	ssyncset.done $0x0  }
0xa5: {  	s25 =	simm.s32 $0x1B8E;
	s24 =	sld [smem:$0x3FFE];
	[sflag:s23] =	ssyncadd.s32 $0xFFFFFFFF  }
0xa6: {  	s26 =	simm.s32 $execute0_lowered;
	[smem:$0x3FD2] =	sst s25  }
0xa7: {  	s6 =	sshll.u32 s26, $0x1;
	_ =	strace $0x80000046;
	[dreg:$0x1] =	wrdreg $0xFFFFFFFF  }
0xa8: {  	s28 =	simm.s32 $_size_execute0_lowered;
	s4 =	sadd.s32 s4, s6;
	[dreg:$0x0] =	wrdreg $0x0  }
0xa9: {  	s6 =	sshll.u32 s28, $0x1;
	[dreg:$0x2] =	wrdreg s4  }
0xaa: {  	[dreg:$0x3] =	wrdreg s6  }
0xab: {  	[dreg:$0x4] =	wrdreg $0xC0  }
0xac: {  	_ =	task [dreg:s8], $0x5FFFF  }
0xad: {  	[dreg:$0x1] =	wrdreg $0xFFFFFFFF  }
0xae: {  	[dreg:$0x0] =	wrdreg $0x60  }
0xaf: {  	[dreg:$0x2] =	wrdreg s2  }
0xb0: {  	[dreg:$0x3] =	wrdreg s24  }
0xb1: {  	[dreg:$0x4] =	wrdreg s18  }
0xb2: {  	[dreg:$0x5] =	wrdreg $0x9  }
0xb3: {  	_ =	task.clear_ibuf [dreg:s8], $0x6FFFF;
	_ =	strace $0x90000046  }
0xb4: {  	s29 =	simm.s32 $0x9;
	_ =	strace $0x80000048  }
0xb5: {  	_ =	swait.ge [sflag:s29], $0x1  }
0xb6: {  	[sflag:s29] =	ssyncadd.s32 $0xFFFFFFFF  }
0xb7: {  	_ =	strace $0x90000048  }
0xb8: {  	_ =	sfence  }
0xb9: {  	s30 =	sld [smem:$0x0];
	_ =	sdelay $0x2  }
0xba: {  	s31 =	sshll.u32 s1, $0xD;
	s1 =	sshrl.u32 s1, $0x2  }
0xbb: {  	s3 =	sand.u32 $0x4000, s31;
	s1 =	sadd.s32 s1, s30  }
0xbc: {  	s0 =	sor.u32 s3, s0;
	s1 =	sshll.u32 s1, $0x11  }
0xbd: {  	s0 =	sor.u32 s1, s0  }
0xbe: {  	s0 =	sadd.s32 $0x8F2B, s0  }
0xbf: {  	[sflag:s0] =	ssyncadd.remote.s32 $0x1  }
0xc0: {  	_ =	sfence.sel $0xFFFF  }
0xc1: {  	[dreg:$0x0] =	wrdreg $0xFFFFFFFF;
	(pc) =	sbr.abs _section_cstart, $3  }
0xc2: {  	[dreg:$0x1] =	wrdreg $0xFFFFFFFF  }
0xc3: {  	_ =	task.clear_ibuf [dreg:s8], $0x2FFFF;
	_ =	strace $0x9FFFFFFF  }
0xc4: {  	(tm) =	ssettm $0x7FFFFFFF  }
0xc5: {  	_ =	shalt  }
tec
execute0_lowered:
.L_overlay_start_1:
0x0: {  	(tag) =	ssettag $0x1  }
0x1: {  	s1 =	rddreg [dreg:$0x0]  }
0x2: {  	s0 =	srdreg.scid;
	s2 =	rddreg [dreg:$0x1]  }
0x3: {  	s3 =	stileid.u32;
	s5 =	rddreg [dreg:$0x2];
	s10 =	simm.s32 $0xE400  }
0x4: {  	s11 =	simm.s32 $0xEC00;
	s12 =	simm.s32 $0xFC00;
	s13 =	simm.s32 $0x10400  }
0x5: {  	s14 =	simm.s32 $0x10C00;
	s15 =	simm.s32 $0x11400;
	s0 =	sand.u32 $0x1, s0  }
0x6: {  	s3 =	sshll.u32 s3, $0xB;
	s4 =	sshll.u32 s0, $0xA;
	s0 =	ssub.s32 $0x2, s0  }
0x7: {  	s4 =	sor.u32 s4, s3;
	s3 =	simm.s32 $0x0;
	s9 =	sshrl.u32 s0, $0x1  }
0x8: {  	[smem:$0x7FF] =	sst s3;
	s0 =	ssub.s32 s0, s9;
	s9 =	simm.s32 $0xDC00  }
0x9: {  	s16 =	simm.s32 $0x11C00;
	_ =	strace $0x80000047;
	[dreg:$0xb] =	wrdreg s9  }
0xa: {  	s17 =	simm.s32 $0x12C00;
	s18 =	simm.s32 $0x13400;
	[dreg:$0xc] =	wrdreg s10  }
0xb: {  	s19 =	simm.s32 $0x13C00;
	s20 =	simm.s32 $0x14400;
	[dreg:$0xd] =	wrdreg s11  }
0xc: {  	s21 =	simm.s32 $0x14C00;
	s22 =	simm.s32 $0x15C00;
	[dreg:$0xe] =	wrdreg s12  }
0xd: {  	s28 =	simm.s32 $0x9400;
	s29 =	simm.s32 $0xC;
	[dreg:$0xf] =	wrdreg s13  }
0xe: {  	s30 =	simm.s32 $0xD;
	s31 =	simm.s32 $0xE;
	[dreg:$0x10] =	wrdreg s14  }
0xf: {  	s6 =	sor.u32 $0x40, s4;
	s7 =	sshrl.u32 s4, $0x3;
	[dreg:$0x11] =	wrdreg s15  }
0x10: {  	s8 =	sor.u32 $0x50, s4;
	s24 =	sor.u32 $0x60, s4;
	[dreg:$0x12] =	wrdreg s16  }
0x11: {  	s4 =	sor.u32 $0x70, s4;
	s6 =	sshrl.u32 s6, $0x3;
	[dreg:$0x13] =	wrdreg s17  }
0x12: {  	s2 =	sadd.s32 s7, s2;
	s8 =	sshrl.u32 s8, $0x3;
	[dreg:$0x14] =	wrdreg s18  }
0x13: {  	s7 =	smul.u32 $0x300, s7;
	s4 =	sshrl.u32 s4, $0x3;
	[dreg:$0x15] =	wrdreg s19  }
0x14: {  	s0 =	smax.u32 s0, $0x1;
	s9 =	simm.s32 $0x400;
	[dreg:$0x16] =	wrdreg s20  }
0x15: {  	s15 =	simm.s32 $0x3400;
	[dreg:$0x17] =	wrdreg s21;
	s21 =	simm.s32 $0x6400  }
0x16: {  	[dreg:$0x18] =	wrdreg s22;
	s10 =	simm.s32 $0xC400;
	s11 =	simm.s32 $0x1  }
0x17: {  	s12 =	simm.s32 $0xF400;
	s13 =	simm.s32 $0x2;
	s14 =	simm.s32 $0x12400  }
0x18: {  	s16 =	simm.s32 $0x3;
	s17 =	simm.s32 $0x15400;
	s18 =	simm.s32 $0x4  }
0x19: {  	s23 =	smul.u32 $0x300, s8;
	s2 =	sadd.s32 $0x400, s2;
	[dreg:$0x1e] =	wrdreg s0  }
0x1a: {  	s8 =	sshrl.u32 s24, $0x3;
	s24 =	simm.s32 $0x16C00;
	[dreg:$0x1d] =	wrdreg s2  }
0x1b: {  	s6 =	smul.u32 $0x300, s6;
	s25 =	sadd.s32 s7, s5;
	[dreg:$0x1a] =	wrdreg s24  }
0x1c: {  	s19 =	simm.s32 $0x5;
	s7 =	simm.s32 $0xCC00;
	[dreg:$0x6] =	wrdreg s25  }
0x1d: {  	s20 =	simm.s32 $0x6;
	s6 =	sadd.s32 s6, s5;
	[dreg:$0x9] =	wrdreg s7  }
0x1e: {  	s8 =	smul.u32 $0x300, s8;
	s25 =	simm.s32 $0x17400;
	[dreg:$0x4] =	wrdreg s6  }
0x1f: {  	s22 =	simm.s32 $0x7;
	s6 =	sadd.s32 s23, s5;
	[dreg:$0x1b] =	wrdreg s25  }
0x20: {  	s4 =	smul.u32 $0x300, s4;
	s26 =	sadd.s32 s8, s5;
	[dreg:$0x5] =	wrdreg s6  }
0x21: {  	s0 =	simm.s32 $0x10;
	s8 =	simm.s32 $0xD400;
	[dreg:$0x7] =	wrdreg s26  }
0x22: {  	s2 =	simm.s32 $0xF;
	s23 =	simm.s32 $0x16400;
	[dreg:$0xa] =	wrdreg s8  }
0x23: {  	v2 =	vlaneseq.u32;
	s6 =	sadd.s32 s4, s5;
	s5 =	sadd.s32 $0x100, s1;
	[dreg:$0x19] =	wrdreg s23  }
0x24: {  	vm0 =	vmmov $0xffff;
	v1 =	vshrl.u32 v2, $0x3;
	s26 =	simm.s32 $0x17C00;
	s23 =	simm.s32 $0x8;
	[dreg:$0x8] =	wrdreg s6  }
0x25: {  	v0 =	vand.u32 $0x7, v2;
	v2 =	vor.u32 $0x8, v2;
	v1 =	vmul.u32 $0x8, v1;
	s4 =	simm.s32 $0x0;
	s6 =	sadd.s32 $0x200, s1;
	[dreg:$0x1c] =	wrdreg s26  }
.LBB2_1:
0x26: {  	s7 =	rddreg [dreg:$0x1d];
	s26 =	simm.s32 $0x11  }
0x27: {  	[tilespmem:s3], [sflag:$0x11] =	stream.linear.gather [hbm4b:s7+s3], $0x400, $0x38;
	[tilespmem:$0x18400] =	vst v63  }
0x28: {  	_ =	swait.ge [sflag:s26], $0x400  }
0x29: {  	[sflag:s26] =	ssyncset.done $0x0  }
0x2a: {  	[sflag:s26] =	ssyncadd.s32 $0xFFFFFC00  }
0x2b: {  	v3 =	vld [tilespmem:$0x0];
	_ =	sdelay $0x4  }
0x2c: {  	v4 =	vshrl.u32 v3, $0x3  }
0x2d: {  	v4 =	vmul.u32 $0x30, v4  }
0x2e: {  	v3 =	vand.u32 $0x7, v3  }
0x2f: {  	v3 =	vor.u32 v3, v4  }
0x30: {  	v4 =	vperm.xlane v3, v0;
	_ =	sdelay $0x1  }
0x31: {  	v4 =	vadd.s32 v1, v4;
	_ =	sdelay $0x3  }
0x32: {  	v3 =	vperm.xlane v3, v2  }
0x33: {  	[tilespmem:s9], [sflag:$0x1] =	stream.indirect_vreg.gather [hbm4b:s1+s3], $0x80, v4, vm0, $0xb8;
	[tilespmem:$0x18400] =	vst v63  }
0x34: {  	s8 =	simm.s32 $0xC00;
	v3 =	vadd.s32 v1, v3  }
0x35: {  	[tilespmem:s8], [sflag:$0x1] =	stream.indirect_vreg.gather [hbm4b:s5+s3], $0x80, v4, vm0, $0xb8;
	[tilespmem:$0x18400] =	vst v63  }
0x36: {  	s24 =	simm.s32 $0x1400  }
0x37: {  	[tilespmem:s24], [sflag:$0x1] =	stream.indirect_vreg.gather [hbm4b:s6+s3], $0x80, v4, vm0, $0xb8;
	[tilespmem:$0x18400] =	vst v63  }
0x38: {  	s25 =	simm.s32 $0x1C00  }
0x39: {  	[tilespmem:s25], [sflag:$0x1] =	stream.indirect_vreg.gather [hbm4b:s1+s3], $0x80, v3, vm0, $0xb8;
	[tilespmem:$0x18400] =	vst v63  }
0x3a: {  	s26 =	simm.s32 $0x2400  }
0x3b: {  	[tilespmem:s26], [sflag:$0x1] =	stream.indirect_vreg.gather [hbm4b:s5+s3], $0x80, v3, vm0, $0xb8;
	[tilespmem:$0x18400] =	vst v63  }
0x3c: {  	s8 =	simm.s32 $0x2C00  }
0x3d: {  	[tilespmem:s8], [sflag:$0x1] =	stream.indirect_vreg.gather [hbm4b:s6+s3], $0x80, v3, vm0, $0xb8;
	[tilespmem:$0x18400] =	vst v63  }
0x3e: {  	v3 =	vld [tilespmem:$0x10];
	_ =	sdelay $0x4  }
0x3f: {  	v61 =	vshrl.u32 v3, $0x3  }
0x40: {  	v4 =	vmul.u32 $0x30, v61  }
0x41: {  	v3 =	vand.u32 $0x7, v3  }
0x42: {  	v3 =	vor.u32 v3, v4  }
0x43: {  	v4 =	vperm.xlane v3, v0;
	_ =	sdelay $0x1  }
0x44: {  	v4 =	vadd.s32 v1, v4;
	_ =	sdelay $0x3  }
0x45: {  	v3 =	vperm.xlane v3, v2  }
0x46: {  	[tilespmem:s15], [sflag:$0x2] =	stream.indirect_vreg.gather [hbm4b:s1+s3], $0x80, v4, vm0, $0xb8;
	[tilespmem:$0x18400] =	vst v63  }
0x47: {  	s24 =	simm.s32 $0x3C00;
	v3 =	vadd.s32 v1, v3  }
0x48: {  	[tilespmem:s24], [sflag:$0x2] =	stream.indirect_vreg.gather [hbm4b:s5+s3], $0x80, v4, vm0, $0xb8;
	[tilespmem:$0x18400] =	vst v63  }
0x49: {  	s25 =	simm.s32 $0x4400  }
0x4a: {  	[tilespmem:s25], [sflag:$0x2] =	stream.indirect_vreg.gather [hbm4b:s6+s3], $0x80, v4, vm0, $0xb8;
	[tilespmem:$0x18400] =	vst v63  }
0x4b: {  	s26 =	simm.s32 $0x4C00  }
0x4c: {  	[tilespmem:s26], [sflag:$0x2] =	stream.indirect_vreg.gather [hbm4b:s1+s3], $0x80, v3, vm0, $0xb8;
	[tilespmem:$0x18400] =	vst v63  }
0x4d: {  	s8 =	simm.s32 $0x5400  }
0x4e: {  	[tilespmem:s8], [sflag:$0x2] =	stream.indirect_vreg.gather [hbm4b:s5+s3], $0x80, v3, vm0, $0xb8;
	[tilespmem:$0x18400] =	vst v63  }
0x4f: {  	s24 =	simm.s32 $0x5C00  }
0x50: {  	[tilespmem:s24], [sflag:$0x2] =	stream.indirect_vreg.gather [hbm4b:s6+s3], $0x80, v3, vm0, $0xb8;
	[tilespmem:$0x18400] =	vst v63  }
0x51: {  	v3 =	vld [tilespmem:$0x20];
	_ =	sdelay $0x4  }
0x52: {  	v62 =	vshrl.u32 v3, $0x3  }
0x53: {  	v4 =	vmul.u32 $0x30, v62  }
0x54: {  	v3 =	vand.u32 $0x7, v3  }
0x55: {  	v3 =	vor.u32 v3, v4  }
0x56: {  	v4 =	vperm.xlane v3, v0;
	_ =	sdelay $0x1  }
0x57: {  	v4 =	vadd.s32 v1, v4;
	_ =	sdelay $0x3  }
0x58: {  	v3 =	vperm.xlane v3, v2  }
0x59: {  	[tilespmem:s21], [sflag:$0x3] =	stream.indirect_vreg.gather [hbm4b:s1+s3], $0x80, v4, vm0, $0xb8;
	[tilespmem:$0x18400] =	vst v63  }
0x5a: {  	s25 =	simm.s32 $0x6C00;
	v3 =	vadd.s32 v1, v3  }
0x5b: {  	[tilespmem:s25], [sflag:$0x3] =	stream.indirect_vreg.gather [hbm4b:s5+s3], $0x80, v4, vm0, $0xb8;
	[tilespmem:$0x18400] =	vst v63  }
0x5c: {  	s26 =	simm.s32 $0x7400  }
0x5d: {  	[tilespmem:s26], [sflag:$0x3] =	stream.indirect_vreg.gather [hbm4b:s6+s3], $0x80, v4, vm0, $0xb8;
	[tilespmem:$0x18400] =	vst v63  }
0x5e: {  	s8 =	simm.s32 $0x7C00  }
0x5f: {  	[tilespmem:s8], [sflag:$0x3] =	stream.indirect_vreg.gather [hbm4b:s1+s3], $0x80, v3, vm0, $0xb8;
	[tilespmem:$0x18400] =	vst v63  }
0x60: {  	s24 =	simm.s32 $0x8400  }
0x61: {  	[tilespmem:s24], [sflag:$0x3] =	stream.indirect_vreg.gather [hbm4b:s5+s3], $0x80, v3, vm0, $0xb8;
	[tilespmem:$0x18400] =	vst v63  }
0x62: {  	s25 =	simm.s32 $0x8C00  }
0x63: {  	[tilespmem:s25], [sflag:$0x3] =	stream.indirect_vreg.gather [hbm4b:s6+s3], $0x80, v3, vm0, $0xb8;
	[tilespmem:$0x18400] =	vst v63  }
0x64: {  	v3 =	vld [tilespmem:$0x30];
	_ =	sdelay $0x4  }
0x65: {  	v63 =	vshrl.u32 v3, $0x3  }
0x66: {  	v4 =	vmul.u32 $0x30, v63  }
0x67: {  	v3 =	vand.u32 $0x7, v3  }
0x68: {  	v3 =	vor.u32 v3, v4  }
0x69: {  	v4 =	vperm.xlane v3, v0;
	_ =	sdelay $0x1  }
0x6a: {  	v4 =	vadd.s32 v1, v4;
	_ =	sdelay $0x3  }
0x6b: {  	v3 =	vperm.xlane v3, v2  }
0x6c: {  	[tilespmem:s28], [sflag:$0x4] =	stream.indirect_vreg.gather [hbm4b:s1+s3], $0x80, v4, vm0, $0xb8;
	[tilespmem:$0x18400] =	vst v63  }
0x6d: {  	s26 =	simm.s32 $0x9C00;
	v3 =	vadd.s32 v1, v3  }
0x6e: {  	[tilespmem:s26], [sflag:$0x4] =	stream.indirect_vreg.gather [hbm4b:s5+s3], $0x80, v4, vm0, $0xb8;
	[tilespmem:$0x18400] =	vst v63  }
0x6f: {  	s8 =	simm.s32 $0xA400  }
0x70: {  	[tilespmem:s8], [sflag:$0x4] =	stream.indirect_vreg.gather [hbm4b:s6+s3], $0x80, v4, vm0, $0xb8;
	[tilespmem:$0x18400] =	vst v63  }
0x71: {  	s24 =	simm.s32 $0xAC00  }
0x72: {  	[tilespmem:s24], [sflag:$0x4] =	stream.indirect_vreg.gather [hbm4b:s1+s3], $0x80, v3, vm0, $0xb8;
	[tilespmem:$0x18400] =	vst v63  }
0x73: {  	s25 =	simm.s32 $0xB400  }
0x74: {  	[tilespmem:s25], [sflag:$0x4] =	stream.indirect_vreg.gather [hbm4b:s5+s3], $0x80, v3, vm0, $0xb8;
	[tilespmem:$0x18400] =	vst v63  }
0x75: {  	s7 =	simm.s32 $0x60;
	s26 =	simm.s32 $0xBC00;
	s8 =	simm.s32 $0x0  }
0x76: {  	[tilespmem:s26], [sflag:$0x4] =	stream.indirect_vreg.gather [hbm4b:s6+s3], $0x80, v3, vm0, $0xb8;
	[tilespmem:$0x18400] =	vst v63  }
.LBB2_2:
0x77: {  	p0 =	seq.s32 s8, $0x0  }
0x78: {  	s24 =	simm.s32 @!p0 $0xD  }
0x79: {  	_ =	swait.ge @!p0 [sflag:s24], $0x3000  }
0x7a: {  	[sflag:s24] =	ssyncset.done @!p0 $0x0  }
0x7b: {  	[sflag:s24] =	ssyncadd.s32 @!p0 $0xFFFFD000  }
0x7c: {  	v3 =	vld [tilespmem:s7+$0xFFFFFFE0];
	_ =	sdelay $0x4  }
0x7d: {  	v4 =	vshrl.u32 v3, $0x3  }
0x7e: {  	v4 =	vmul.u32 $0x30, v4  }
0x7f: {  	v3 =	vand.u32 $0x7, v3  }
0x80: {  	v3 =	vor.u32 v3, v4  }
0x81: {  	v4 =	vperm.xlane v3, v0;
	_ =	sdelay $0x1  }
0x82: {  	v4 =	vadd.s32 v1, v4;
	_ =	sdelay $0x3  }
0x83: {  	v3 =	vperm.xlane v3, v2  }
0x84: {  	[tilespmem:s10], [sflag:$0x5] =	stream.indirect_vreg.gather [hbm4b:s1+s3], $0x80, v4, vm0, $0xb8;
	[tilespmem:$0x18400] =	vst v63  }
0x85: {  	s26 =	rddreg [dreg:$0x9];
	v3 =	vadd.s32 v1, v3  }
0x86: {  	[tilespmem:s26], [sflag:$0x5] =	stream.indirect_vreg.gather [hbm4b:s5+s3], $0x80, v4, vm0, $0xb8;
	[tilespmem:$0x18400] =	vst v63  }
0x87: {  	s25 =	rddreg [dreg:$0xa]  }
0x88: {  	[tilespmem:s25], [sflag:$0x5] =	stream.indirect_vreg.gather [hbm4b:s6+s3], $0x80, v4, vm0, $0xb8;
	[tilespmem:$0x18400] =	vst v63  }
0x89: {  	s26 =	rddreg [dreg:$0xb]  }
0x8a: {  	[tilespmem:s26], [sflag:$0x5] =	stream.indirect_vreg.gather [hbm4b:s1+s3], $0x80, v3, vm0, $0xb8;
	[tilespmem:$0x18400] =	vst v63  }
0x8b: {  	s25 =	rddreg [dreg:$0xc]  }
0x8c: {  	[tilespmem:s25], [sflag:$0x5] =	stream.indirect_vreg.gather [hbm4b:s5+s3], $0x80, v3, vm0, $0xb8;
	[tilespmem:$0x18400] =	vst v63  }
0x8d: {  	s26 =	rddreg [dreg:$0xd]  }
0x8e: {  	[tilespmem:s26], [sflag:$0x5] =	stream.indirect_vreg.gather [hbm4b:s6+s3], $0x80, v3, vm0, $0xb8;
	[tilespmem:$0x18400] =	vst v63  }
0x8f: {  	_ =	swait.ge [sflag:s11], $0x3000  }
0x90: {  	s25 =	rddreg [dreg:$0x6];
	[sflag:s11] =	ssyncset.done $0x0  }
0x91: {  	[sflag:s11] =	ssyncadd.s32 $0xFFFFD000;
	s24 =	sadd.s32 s8, s25;
	s25 =	simm.s32 @!p0 $0xE  }
0x92: {  	[hbm4b:s24+s3] =	stream.linear.scatter [tilespmem:s9], [sflag:$0x9], $0x3000, $0x38;
	[tilespmem:$0x18400] =	vst v63  }
0x93: {  	_ =	swait.ge @!p0 [sflag:s25], $0x3000  }
0x94: {  	[sflag:s25] =	ssyncset.done @!p0 $0x0  }
0x95: {  	[sflag:s25] =	ssyncadd.s32 @!p0 $0xFFFFD000  }
0x96: {  	v3 =	vld [tilespmem:s7+$0xFFFFFFF0];
	_ =	sdelay $0x4  }
0x97: {  	v61 =	vshrl.u32 v3, $0x3  }
0x98: {  	v4 =	vmul.u32 $0x30, v61  }
0x99: {  	v3 =	vand.u32 $0x7, v3  }
0x9a: {  	v3 =	vor.u32 v3, v4  }
0x9b: {  	v4 =	vperm.xlane v3, v0;
	_ =	sdelay $0x1  }
0x9c: {  	v4 =	vadd.s32 v1, v4;
	_ =	sdelay $0x3  }
0x9d: {  	v3 =	vperm.xlane v3, v2  }
0x9e: {  	[tilespmem:s12], [sflag:$0x6] =	stream.indirect_vreg.gather [hbm4b:s1+s3], $0x80, v4, vm0, $0xb8;
	[tilespmem:$0x18400] =	vst v63  }
0x9f: {  	s25 =	rddreg [dreg:$0xe];
	v3 =	vadd.s32 v1, v3  }
0xa0: {  	[tilespmem:s25], [sflag:$0x6] =	stream.indirect_vreg.gather [hbm4b:s5+s3], $0x80, v4, vm0, $0xb8;
	[tilespmem:$0x18400] =	vst v63  }
0xa1: {  	s26 =	rddreg [dreg:$0xf]  }
0xa2: {  	[tilespmem:s26], [sflag:$0x6] =	stream.indirect_vreg.gather [hbm4b:s6+s3], $0x80, v4, vm0, $0xb8;
	[tilespmem:$0x18400] =	vst v63  }
0xa3: {  	s25 =	rddreg [dreg:$0x10]  }
0xa4: {  	[tilespmem:s25], [sflag:$0x6] =	stream.indirect_vreg.gather [hbm4b:s1+s3], $0x80, v3, vm0, $0xb8;
	[tilespmem:$0x18400] =	vst v63  }
0xa5: {  	s26 =	rddreg [dreg:$0x11]  }
0xa6: {  	[tilespmem:s26], [sflag:$0x6] =	stream.indirect_vreg.gather [hbm4b:s5+s3], $0x80, v3, vm0, $0xb8;
	[tilespmem:$0x18400] =	vst v63  }
0xa7: {  	s25 =	rddreg [dreg:$0x12]  }
0xa8: {  	[tilespmem:s25], [sflag:$0x6] =	stream.indirect_vreg.gather [hbm4b:s6+s3], $0x80, v3, vm0, $0xb8;
	[tilespmem:$0x18400] =	vst v63  }
0xa9: {  	_ =	swait.ge [sflag:s13], $0x3000  }
0xaa: {  	[sflag:s13] =	ssyncset.done $0x0  }
0xab: {  	s26 =	sadd.s32 $0x600, s24;
	s25 =	simm.s32 @!p0 $0xF;
	[sflag:s13] =	ssyncadd.s32 $0xFFFFD000  }
0xac: {  	[hbm4b:s26+s3] =	stream.linear.scatter [tilespmem:s15], [sflag:$0xA], $0x3000, $0x38;
	[tilespmem:$0x18400] =	vst v63  }
0xad: {  	_ =	swait.ge @!p0 [sflag:s25], $0x3000  }
0xae: {  	[sflag:s25] =	ssyncset.done @!p0 $0x0  }
0xaf: {  	[sflag:s25] =	ssyncadd.s32 @!p0 $0xFFFFD000  }
0xb0: {  	v3 =	vld [tilespmem:s7+$0x0];
	_ =	sdelay $0x4  }
0xb1: {  	v62 =	vshrl.u32 v3, $0x3  }
0xb2: {  	v4 =	vmul.u32 $0x30, v62  }
0xb3: {  	v3 =	vand.u32 $0x7, v3  }
0xb4: {  	v3 =	vor.u32 v3, v4  }
0xb5: {  	v4 =	vperm.xlane v3, v0;
	_ =	sdelay $0x1  }
0xb6: {  	v4 =	vadd.s32 v1, v4;
	_ =	sdelay $0x3  }
0xb7: {  	v3 =	vperm.xlane v3, v2  }
0xb8: {  	[tilespmem:s14], [sflag:$0x7] =	stream.indirect_vreg.gather [hbm4b:s1+s3], $0x80, v4, vm0, $0xb8;
	[tilespmem:$0x18400] =	vst v63  }
0xb9: {  	s25 =	rddreg [dreg:$0x13];
	v3 =	vadd.s32 v1, v3  }
0xba: {  	[tilespmem:s25], [sflag:$0x7] =	stream.indirect_vreg.gather [hbm4b:s5+s3], $0x80, v4, vm0, $0xb8;
	[tilespmem:$0x18400] =	vst v63  }
0xbb: {  	s26 =	rddreg [dreg:$0x14]  }
0xbc: {  	[tilespmem:s26], [sflag:$0x7] =	stream.indirect_vreg.gather [hbm4b:s6+s3], $0x80, v4, vm0, $0xb8;
	[tilespmem:$0x18400] =	vst v63  }
0xbd: {  	s25 =	rddreg [dreg:$0x15]  }
0xbe: {  	[tilespmem:s25], [sflag:$0x7] =	stream.indirect_vreg.gather [hbm4b:s1+s3], $0x80, v3, vm0, $0xb8;
	[tilespmem:$0x18400] =	vst v63  }
0xbf: {  	s26 =	rddreg [dreg:$0x16]  }
0xc0: {  	[tilespmem:s26], [sflag:$0x7] =	stream.indirect_vreg.gather [hbm4b:s5+s3], $0x80, v3, vm0, $0xb8;
	[tilespmem:$0x18400] =	vst v63  }
0xc1: {  	s25 =	rddreg [dreg:$0x17]  }
0xc2: {  	[tilespmem:s25], [sflag:$0x7] =	stream.indirect_vreg.gather [hbm4b:s6+s3], $0x80, v3, vm0, $0xb8;
	[tilespmem:$0x18400] =	vst v63  }
0xc3: {  	_ =	swait.ge [sflag:s16], $0x3000  }
0xc4: {  	[sflag:s16] =	ssyncset.done $0x0  }
0xc5: {  	s26 =	sadd.s32 $0xC00, s24;
	s25 =	simm.s32 @!p0 $0x10;
	[sflag:s16] =	ssyncadd.s32 $0xFFFFD000  }
0xc6: {  	[hbm4b:s26+s3] =	stream.linear.scatter [tilespmem:s21], [sflag:$0xB], $0x3000, $0x38;
	[tilespmem:$0x18400] =	vst v63  }
0xc7: {  	_ =	swait.ge @!p0 [sflag:s25], $0x3000  }
0xc8: {  	[sflag:s25] =	ssyncset.done @!p0 $0x0  }
0xc9: {  	[sflag:s25] =	ssyncadd.s32 @!p0 $0xFFFFD000  }
0xca: {  	v3 =	vld [tilespmem:s7+$0x10];
	_ =	sdelay $0x4  }
0xcb: {  	v63 =	vshrl.u32 v3, $0x3  }
0xcc: {  	v4 =	vmul.u32 $0x30, v63  }
0xcd: {  	v3 =	vand.u32 $0x7, v3  }
0xce: {  	v3 =	vor.u32 v3, v4  }
0xcf: {  	v4 =	vperm.xlane v3, v0;
	_ =	sdelay $0x1  }
0xd0: {  	v4 =	vadd.s32 v1, v4;
	_ =	sdelay $0x3  }
0xd1: {  	v3 =	vperm.xlane v3, v2  }
0xd2: {  	[tilespmem:s17], [sflag:$0x8] =	stream.indirect_vreg.gather [hbm4b:s1+s3], $0x80, v4, vm0, $0xb8;
	[tilespmem:$0x18400] =	vst v63  }
0xd3: {  	s25 =	rddreg [dreg:$0x18];
	v3 =	vadd.s32 v1, v3  }
0xd4: {  	[tilespmem:s25], [sflag:$0x8] =	stream.indirect_vreg.gather [hbm4b:s5+s3], $0x80, v4, vm0, $0xb8;
	[tilespmem:$0x18400] =	vst v63  }
0xd5: {  	s26 =	rddreg [dreg:$0x19]  }
0xd6: {  	[tilespmem:s26], [sflag:$0x8] =	stream.indirect_vreg.gather [hbm4b:s6+s3], $0x80, v4, vm0, $0xb8;
	[tilespmem:$0x18400] =	vst v63  }
0xd7: {  	s25 =	rddreg [dreg:$0x1a]  }
0xd8: {  	[tilespmem:s25], [sflag:$0x8] =	stream.indirect_vreg.gather [hbm4b:s1+s3], $0x80, v3, vm0, $0xb8;
	[tilespmem:$0x18400] =	vst v63  }
0xd9: {  	s26 =	rddreg [dreg:$0x1b]  }
0xda: {  	[tilespmem:s26], [sflag:$0x8] =	stream.indirect_vreg.gather [hbm4b:s5+s3], $0x80, v3, vm0, $0xb8;
	[tilespmem:$0x18400] =	vst v63  }
0xdb: {  	s25 =	rddreg [dreg:$0x1c]  }
0xdc: {  	[tilespmem:s25], [sflag:$0x8] =	stream.indirect_vreg.gather [hbm4b:s6+s3], $0x80, v3, vm0, $0xb8;
	[tilespmem:$0x18400] =	vst v63  }
0xdd: {  	_ =	swait.ge [sflag:s18], $0x3000  }
0xde: {  	[sflag:s18] =	ssyncset.done $0x0  }
0xdf: {  	s24 =	sadd.s32 $0x1200, s24;
	p0 =	seq.s32 s8, $0x15000;
	[sflag:s18] =	ssyncadd.s32 $0xFFFFD000  }
0xe0: {  	[hbm4b:s24+s3] =	stream.linear.scatter [tilespmem:s28], [sflag:$0xC], $0x3000, $0x38;
	[tilespmem:$0x18400] =	vst v63  }
0xe1: {  	s24 =	simm.s32 @!p0 $0x9  }
0xe2: {  	_ =	swait.ge @!p0 [sflag:s24], $0x3000  }
0xe3: {  	[sflag:s24] =	ssyncset.done @!p0 $0x0  }
0xe4: {  	[sflag:s24] =	ssyncadd.s32 @!p0 $0xFFFFD000  }
0xe5: {  	v3 =	vld @!p0 [tilespmem:s7+$0x20];
	_ =	sdelay $0x4  }
0xe6: {  	v4 =	vshrl.u32 @!p0 v3, $0x3  }
0xe7: {  	v4 =	vmul.u32 @!p0 $0x30, v4  }
0xe8: {  	v5 =	vlaneseq.u32 @!p0;
	v3 =	vand.u32 @!p0 $0x7, v3  }
0xe9: {  	v6 =	vshrl.u32 @!p0 v5, $0x3;
	v3 =	vor.u32 @!p0 v3, v4;
	v4 =	vand.u32 @!p0 $0x7, v5  }
0xea: {  	v6 =	vmul.u32 @!p0 $0x8, v6;
	v7 =	vperm.xlane @!p0 v3, v4;
	_ =	sdelay $0x1  }
0xeb: {  	v7 =	vadd.s32 @!p0 v6, v7;
	_ =	sdelay $0x2  }
0xec: {  	v5 =	vor.u32 @!p0 $0x8, v5  }
0xed: {  	vm1 =	vmmov @!p0 $0xffff;
	s25 =	simm.s32 @!p0 $0x400;
	s24 =	simm.s32 @!p0 $0x0;
	v3 =	vperm.xlane @!p0 v3, v5  }
0xee: {  	[tilespmem:s25], [sflag:$0x1] =	stream.indirect_vreg.gather @!p0 [hbm4b:s1+s24], $0x80, v7, vm1, $0xb8;
	[tilespmem:$0x18400] =	vst v63  }
0xef: {  	v3 =	vadd.s32 @!p0 v6, v3;
	s25 =	simm.s32 @!p0 $0xC00  }
0xf0: {  	[tilespmem:s25], [sflag:$0x1] =	stream.indirect_vreg.gather @!p0 [hbm4b:s5+s24], $0x80, v7, vm1, $0xb8;
	[tilespmem:$0x18400] =	vst v63  }
0xf1: {  	s25 =	simm.s32 @!p0 $0x1400  }
0xf2: {  	[tilespmem:s25], [sflag:$0x1] =	stream.indirect_vreg.gather @!p0 [hbm4b:s6+s24], $0x80, v7, vm1, $0xb8;
	[tilespmem:$0x18400] =	vst v63  }
0xf3: {  	s25 =	simm.s32 @!p0 $0x1C00  }
0xf4: {  	[tilespmem:s25], [sflag:$0x1] =	stream.indirect_vreg.gather @!p0 [hbm4b:s1+s24], $0x80, v3, vm1, $0xb8;
	[tilespmem:$0x18400] =	vst v63  }
0xf5: {  	s25 =	simm.s32 @!p0 $0x2400  }
0xf6: {  	[tilespmem:s25], [sflag:$0x1] =	stream.indirect_vreg.gather @!p0 [hbm4b:s5+s24], $0x80, v3, vm1, $0xb8;
	[tilespmem:$0x18400] =	vst v63  }
0xf7: {  	s25 =	simm.s32 @!p0 $0x2C00  }
0xf8: {  	[tilespmem:s25], [sflag:$0x1] =	stream.indirect_vreg.gather @!p0 [hbm4b:s6+s24], $0x80, v3, vm1, $0xb8;
	[tilespmem:$0x18400] =	vst v63  }
0xf9: {  	_ =	swait.ge [sflag:s19], $0x3000  }
0xfa: {  	s26 =	rddreg [dreg:$0x4];
	[sflag:s19] =	ssyncset.done $0x0  }
0xfb: {  	[sflag:s19] =	ssyncadd.s32 $0xFFFFD000;
	s25 =	sadd.s32 s8, s26  }
0xfc: {  	[hbm4b:s25+s3] =	stream.linear.scatter [tilespmem:s10], [sflag:$0xD], $0x3000, $0x38;
	[tilespmem:$0x18400] =	vst v63  }
0xfd: {  	s25 =	simm.s32 @!p0 $0xA  }
0xfe: {  	_ =	swait.ge @!p0 [sflag:s25], $0x3000  }
0xff: {  	[sflag:s25] =	ssyncset.done @!p0 $0x0  }
0x100: {  	[sflag:s25] =	ssyncadd.s32 @!p0 $0xFFFFD000  }
0x101: {  	v3 =	vld @!p0 [tilespmem:s7+$0x30];
	_ =	sdelay $0x4  }
0x102: {  	v7 =	vshrl.u32 @!p0 v3, $0x3  }
0x103: {  	v7 =	vmul.u32 @!p0 $0x30, v7  }
0x104: {  	v3 =	vand.u32 @!p0 $0x7, v3  }
0x105: {  	v3 =	vor.u32 @!p0 v3, v7  }
0x106: {  	v7 =	vperm.xlane @!p0 v3, v4;
	_ =	sdelay $0x1  }
0x107: {  	v7 =	vadd.s32 @!p0 v6, v7;
	_ =	sdelay $0x3  }
0x108: {  	s25 =	simm.s32 @!p0 $0x3400;
	v3 =	vperm.xlane @!p0 v3, v5  }
0x109: {  	[tilespmem:s25], [sflag:$0x2] =	stream.indirect_vreg.gather @!p0 [hbm4b:s1+s24], $0x80, v7, vm1, $0xb8;
	[tilespmem:$0x18400] =	vst v63  }
0x10a: {  	v3 =	vadd.s32 @!p0 v6, v3;
	s25 =	simm.s32 @!p0 $0x3C00  }
0x10b: {  	[tilespmem:s25], [sflag:$0x2] =	stream.indirect_vreg.gather @!p0 [hbm4b:s5+s24], $0x80, v7, vm1, $0xb8;
	[tilespmem:$0x18400] =	vst v63  }
0x10c: {  	s25 =	simm.s32 @!p0 $0x4400  }
0x10d: {  	[tilespmem:s25], [sflag:$0x2] =	stream.indirect_vreg.gather @!p0 [hbm4b:s6+s24], $0x80, v7, vm1, $0xb8;
	[tilespmem:$0x18400] =	vst v63  }
0x10e: {  	s25 =	simm.s32 @!p0 $0x4C00  }
0x10f: {  	[tilespmem:s25], [sflag:$0x2] =	stream.indirect_vreg.gather @!p0 [hbm4b:s1+s24], $0x80, v3, vm1, $0xb8;
	[tilespmem:$0x18400] =	vst v63  }
0x110: {  	s25 =	simm.s32 @!p0 $0x5400  }
0x111: {  	[tilespmem:s25], [sflag:$0x2] =	stream.indirect_vreg.gather @!p0 [hbm4b:s5+s24], $0x80, v3, vm1, $0xb8;
	[tilespmem:$0x18400] =	vst v63  }
0x112: {  	s25 =	simm.s32 @!p0 $0x5C00  }
0x113: {  	[tilespmem:s25], [sflag:$0x2] =	stream.indirect_vreg.gather @!p0 [hbm4b:s6+s24], $0x80, v3, vm1, $0xb8;
	[tilespmem:$0x18400] =	vst v63  }
0x114: {  	_ =	swait.ge [sflag:s20], $0x3000  }
0x115: {  	s26 =	rddreg [dreg:$0x5];
	[sflag:s20] =	ssyncset.done $0x0  }
0x116: {  	[sflag:s20] =	ssyncadd.s32 $0xFFFFD000;
	s25 =	sadd.s32 s8, s26  }
0x117: {  	[hbm4b:s25+s3] =	stream.linear.scatter [tilespmem:s12], [sflag:$0xE], $0x3000, $0x38;
	[tilespmem:$0x18400] =	vst v63  }
0x118: {  	s25 =	simm.s32 @!p0 $0xB  }
0x119: {  	_ =	swait.ge @!p0 [sflag:s25], $0x3000  }
0x11a: {  	[sflag:s25] =	ssyncset.done @!p0 $0x0  }
0x11b: {  	[sflag:s25] =	ssyncadd.s32 @!p0 $0xFFFFD000  }
0x11c: {  	v3 =	vld @!p0 [tilespmem:s7+$0x40];
	_ =	sdelay $0x4  }
0x11d: {  	v7 =	vshrl.u32 @!p0 v3, $0x3  }
0x11e: {  	v7 =	vmul.u32 @!p0 $0x30, v7  }
0x11f: {  	v3 =	vand.u32 @!p0 $0x7, v3  }
0x120: {  	v3 =	vor.u32 @!p0 v3, v7  }
0x121: {  	v7 =	vperm.xlane @!p0 v3, v4;
	_ =	sdelay $0x1  }
0x122: {  	v7 =	vadd.s32 @!p0 v6, v7;
	_ =	sdelay $0x3  }
0x123: {  	s25 =	simm.s32 @!p0 $0x6400;
	v3 =	vperm.xlane @!p0 v3, v5  }
0x124: {  	[tilespmem:s25], [sflag:$0x3] =	stream.indirect_vreg.gather @!p0 [hbm4b:s1+s24], $0x80, v7, vm1, $0xb8;
	[tilespmem:$0x18400] =	vst v63  }
0x125: {  	v3 =	vadd.s32 @!p0 v6, v3;
	s25 =	simm.s32 @!p0 $0x6C00  }
0x126: {  	[tilespmem:s25], [sflag:$0x3] =	stream.indirect_vreg.gather @!p0 [hbm4b:s5+s24], $0x80, v7, vm1, $0xb8;
	[tilespmem:$0x18400] =	vst v63  }
0x127: {  	s25 =	simm.s32 @!p0 $0x7400  }
0x128: {  	[tilespmem:s25], [sflag:$0x3] =	stream.indirect_vreg.gather @!p0 [hbm4b:s6+s24], $0x80, v7, vm1, $0xb8;
	[tilespmem:$0x18400] =	vst v63  }
0x129: {  	s25 =	simm.s32 @!p0 $0x7C00  }
0x12a: {  	[tilespmem:s25], [sflag:$0x3] =	stream.indirect_vreg.gather @!p0 [hbm4b:s1+s24], $0x80, v3, vm1, $0xb8;
	[tilespmem:$0x18400] =	vst v63  }
0x12b: {  	s25 =	simm.s32 @!p0 $0x8400  }
0x12c: {  	[tilespmem:s25], [sflag:$0x3] =	stream.indirect_vreg.gather @!p0 [hbm4b:s5+s24], $0x80, v3, vm1, $0xb8;
	[tilespmem:$0x18400] =	vst v63  }
0x12d: {  	s25 =	simm.s32 @!p0 $0x8C00  }
0x12e: {  	[tilespmem:s25], [sflag:$0x3] =	stream.indirect_vreg.gather @!p0 [hbm4b:s6+s24], $0x80, v3, vm1, $0xb8;
	[tilespmem:$0x18400] =	vst v63  }
0x12f: {  	_ =	swait.ge [sflag:s22], $0x3000  }
0x130: {  	s26 =	rddreg [dreg:$0x7];
	[sflag:s22] =	ssyncset.done $0x0  }
0x131: {  	[sflag:s22] =	ssyncadd.s32 $0xFFFFD000;
	s25 =	sadd.s32 s8, s26  }
0x132: {  	[hbm4b:s25+s3] =	stream.linear.scatter [tilespmem:s14], [sflag:$0xF], $0x3000, $0x38;
	[tilespmem:$0x18400] =	vst v63  }
0x133: {  	s25 =	simm.s32 @!p0 $0xC  }
0x134: {  	_ =	swait.ge @!p0 [sflag:s25], $0x3000  }
0x135: {  	[sflag:s25] =	ssyncset.done @!p0 $0x0  }
0x136: {  	[sflag:s25] =	ssyncadd.s32 @!p0 $0xFFFFD000  }
0x137: {  	v3 =	vld @!p0 [tilespmem:s7+$0x50];
	_ =	sdelay $0x4  }
0x138: {  	v7 =	vshrl.u32 @!p0 v3, $0x3  }
0x139: {  	v7 =	vmul.u32 @!p0 $0x30, v7  }
0x13a: {  	v3 =	vand.u32 @!p0 $0x7, v3  }
0x13b: {  	v3 =	vor.u32 @!p0 v3, v7  }
0x13c: {  	v4 =	vperm.xlane @!p0 v3, v4;
	_ =	sdelay $0x1  }
0x13d: {  	v4 =	vadd.s32 @!p0 v6, v4;
	_ =	sdelay $0x3  }
0x13e: {  	s25 =	simm.s32 @!p0 $0x9400;
	v3 =	vperm.xlane @!p0 v3, v5  }
0x13f: {  	[tilespmem:s25], [sflag:$0x4] =	stream.indirect_vreg.gather @!p0 [hbm4b:s1+s24], $0x80, v4, vm1, $0xb8;
	[tilespmem:$0x18400] =	vst v63  }
0x140: {  	v3 =	vadd.s32 @!p0 v6, v3;
	s25 =	simm.s32 @!p0 $0x9C00  }
0x141: {  	[tilespmem:s25], [sflag:$0x4] =	stream.indirect_vreg.gather @!p0 [hbm4b:s5+s24], $0x80, v4, vm1, $0xb8;
	[tilespmem:$0x18400] =	vst v63  }
0x142: {  	s25 =	simm.s32 @!p0 $0xA400  }
0x143: {  	[tilespmem:s25], [sflag:$0x4] =	stream.indirect_vreg.gather @!p0 [hbm4b:s6+s24], $0x80, v4, vm1, $0xb8;
	[tilespmem:$0x18400] =	vst v63  }
0x144: {  	s25 =	simm.s32 @!p0 $0xAC00  }
0x145: {  	[tilespmem:s25], [sflag:$0x4] =	stream.indirect_vreg.gather @!p0 [hbm4b:s1+s24], $0x80, v3, vm1, $0xb8;
	[tilespmem:$0x18400] =	vst v63  }
0x146: {  	s25 =	simm.s32 @!p0 $0xB400  }
0x147: {  	[tilespmem:s25], [sflag:$0x4] =	stream.indirect_vreg.gather @!p0 [hbm4b:s5+s24], $0x80, v3, vm1, $0xb8;
	[tilespmem:$0x18400] =	vst v63  }
0x148: {  	s25 =	simm.s32 @!p0 $0xBC00  }
0x149: {  	[tilespmem:s25], [sflag:$0x4] =	stream.indirect_vreg.gather @!p0 [hbm4b:s6+s24], $0x80, v3, vm1, $0xb8;
	[tilespmem:$0x18400] =	vst v63  }
0x14a: {  	_ =	swait.ge [sflag:s23], $0x3000  }
0x14b: {  	s26 =	rddreg [dreg:$0x8]  }
0x14c: {  	s24 =	sadd.s32 s8, s26;
	s8 =	sadd.s32 $0x3000, s8  }
0x14d: {  	p0 =	sne.s32 s8, $0x18000  }
.Ltmp0:
0x14e: {  	_ = 	snop;
	(pc) =	sbr.rel @p0 .LBB2_2-.Ltmp0, $4  }
0x14f: {  	_ = 	snop  }
0x150: {  	[sflag:s23] =	ssyncset.done $0x0  }
0x151: {  	s7 =	sadd.s32 $0x80, s7;
	[sflag:s23] =	ssyncadd.s32 $0xFFFFD000  }
0x152: {  	[hbm4b:s24+s3] =	stream.linear.scatter [tilespmem:s17], [sflag:$0x10], $0x3000, $0x38;
	[tilespmem:$0x18400] =	vst v63  }
0x153: {  	s7 =	simm.s32 $0x9  }
0x154: {  	_ =	swait.ge [sflag:s7], $0x3000  }
0x155: {  	[sflag:s7] =	ssyncset.done $0x0  }
0x156: {  	s24 =	simm.s32 $0xA;
	[sflag:s7] =	ssyncadd.s32 $0xFFFFD000  }
0x157: {  	_ =	swait.ge [sflag:s24], $0x3000  }
0x158: {  	[sflag:s24] =	ssyncset.done $0x0  }
0x159: {  	s25 =	simm.s32 $0xB;
	[sflag:s24] =	ssyncadd.s32 $0xFFFFD000  }
0x15a: {  	_ =	swait.ge [sflag:s25], $0x3000  }
0x15b: {  	[sflag:s25] =	ssyncset.done $0x0  }
0x15c: {  	[sflag:s25] =	ssyncadd.s32 $0xFFFFD000  }
0x15d: {  	_ =	swait.ge [sflag:s29], $0x3000  }
0x15e: {  	[sflag:s29] =	ssyncset.done $0x0  }
0x15f: {  	[sflag:s29] =	ssyncadd.s32 $0xFFFFD000  }
0x160: {  	_ =	swait.ge [sflag:s30], $0x3000  }
0x161: {  	[sflag:s30] =	ssyncset.done $0x0  }
0x162: {  	[sflag:s30] =	ssyncadd.s32 $0xFFFFD000  }
0x163: {  	_ =	swait.ge [sflag:s31], $0x3000  }
0x164: {  	[sflag:s31] =	ssyncset.done $0x0  }
0x165: {  	[sflag:s31] =	ssyncadd.s32 $0xFFFFD000  }
0x166: {  	_ =	swait.ge [sflag:s2], $0x3000  }
0x167: {  	[sflag:s2] =	ssyncset.done $0x0  }
0x168: {  	[sflag:s2] =	ssyncadd.s32 $0xFFFFD000  }
0x169: {  	_ =	swait.ge [sflag:s0], $0x3000  }
0x16a: {  	s4 =	sadd.s32 $0x1, s4;
	s26 =	rddreg [dreg:$0x1e]  }
0x16b: {  	p0 =	sne.s32 s4, s26  }
.Ltmp1:
0x16c: {  	_ = 	snop;
	(pc) =	sbr.rel @p0 .LBB2_1-.Ltmp1, $3  }
0x16d: {  	_ =	sdelay $0x1  }
0x16e: {  	[sflag:s0] =	ssyncset.done $0x0  }
0x16f: {  	[sflag:s0] =	ssyncadd.s32 $0xFFFFD000  }
0x170: {  	_ =	sfence.sel $0x180000  }
0x171: {  	[bflag:$0x0] =	sbarrier.arrive $0xFFFF  }
0x172: {  	_ =	strace $0x90000047  }
0x173: {  	s0 =	stileid.u32;
	[bflag:$0x2] =	sbarrier.arrive $0xFFFF  }
0x174: {  	p0 =	sne.s32 s0, $0x0;
	s0 =	rddreg [dreg:$0x3]  }
0x175: {  	s0 =	sadd.s32 @!p0 $0x100000, s0  }
0x176: {  	[sflag:s0] =	ssyncadd.tile.s32 @!p0 $0x1;
	_ =	shalt  }
.Lfunc_end2:
_tile_overlayer_lowered:
.L_overlay_start_2:
0x177: {  	(tag) =	ssettag $0x2  }
0x178: {  	s0 =	rddreg [dreg:$0x0];
	s2 =	stileid.u32  }
0x179: {  	s1 =	rddreg [dreg:$0x1];
	p0 =	sne.s32 s2, $0x0  }
0x17a: {  	s3 =	rddreg [dreg:$0x2];
	[bflag:$0x3] =	sbarrier.arrive $0xFFFF;
	s2 =	simm.s32 @!p0 $0x1C11  }
0x17b: {  	[timem:s3], [sflag:s2] =	dma.local @!p0 [hbm:s0], s1  }
0x17c: {  	s0 =	simm.s32 @!p0 $0x11  }
0x17d: {  	_ =	swait.ge @!p0 [sflag:s0], s1  }
0x17e: {  	s1 =	ssub.s32 @!p0 $0x0, s1;
	[sflag:s0] =	ssyncset.done @!p0 $0x0  }
0x17f: {  	[sflag:s0] =	ssyncadd.s32 @!p0 s1  }
0x180: {  	[bflag:$0x3] =	sbarrier.arrive $0xFFFF  }
0x181: {  	_ =	shalt  }

</sc_bundles>
